<compile_context>
chip_gen: v7x
topology: tpu7x:2x2x1
jax: 0.10.2.dev20260603
libtpu: 0.0.44.dev20260713+nightly
codegen_flags: <defaults>
</compile_context>

<pallas_src>
import dataclasses
import functools

import jax
import jax.numpy as jnp
from jax import lax
from jax.experimental import pallas as pl
from jax.experimental.pallas import tpu as pltpu
from jax.experimental.pallas import tpu_sc as plsc

_RADIUS = 40
_RAD2 = _RADIUS * _RADIUS
_ROWS = 88
_SLABC = 256
_COLS = 96
_LANES = 16


def _dense_body(P, l_ref, out_ref, acc_ref):
    @pl.when((pl.program_id(0) == 0) & (pl.program_id(1) == 0))
    def _():
        acc_ref[...] = jnp.zeros(acc_ref.shape, acc_ref.dtype)

    acc = acc_ref[...]
    for ch in range(P):
        t = l_ref[0, ch]
        e = jnp.exp2(jnp.abs(t) * (-1.4426950408889634))
        u = 1.0 + e
        pr = (u[0:8] * u[8:16]) * (u[16:24] * u[24:32])
        mx = ((jnp.maximum(t[0:8], 0.0) + jnp.maximum(t[8:16], 0.0))
              + (jnp.maximum(t[16:24], 0.0) + jnp.maximum(t[24:32], 0.0)))
        acc = acc + (mx + jnp.log2(pr) * 0.6931471805599453)
    acc_ref[...] = acc

    @pl.when((pl.program_id(0) == pl.num_programs(0) - 1)
             & (pl.program_id(1) == pl.num_programs(1) - 1))
    def _():
        out_ref[0, 0] = jnp.sum(acc_ref[...])


def _dense_softplus_sum(feature_maps):
    B, F, h, w = feature_maps.shape
    P = F // 3
    out = pl.pallas_call(
        functools.partial(_dense_body, P),
        grid=(B, h // 32),
        in_specs=[pl.BlockSpec((1, P, 32, w), lambda b, r: (b, 0, r, 0))],
        out_specs=pl.BlockSpec(memory_space=pltpu.SMEM),
        out_shape=jax.ShapeDtypeStruct((1, 1), jnp.float32),
        scratch_shapes=[pltpu.VMEM((8, w), jnp.float32)],
    )(feature_maps)
    return out[0, 0]


def _window_body(B, P, h, w, fm, xy_hbm, o_hbm,
                 slab_l, slab_x, slab_y, accv, xy_smem,
                 sem_l, sem_x, sem_y, sem_l2, sem_x2, sem_y2, sem_o):
    G = B * P
    cid = lax.axis_index("c")
    sid = lax.axis_index("s")
    idx = cid * 16 + sid
    pltpu.async_copy(xy_hbm, xy_smem, sem_l).wait()
    lane = lax.broadcasted_iota(jnp.int32, (_LANES,), 0)
    scale = jnp.where((lane & 1) == 0, jnp.float32(h), jnp.float32(w))

    @pl.loop(0, (G + 31) // 32)
    def _(k):
        g = idx + 32 * k

        @pl.when(g < G)
        def _():
            b = g // P
            p = g % P
            xyv = (xy_smem[pl.ds(2 * g, _LANES)] * scale).astype(jnp.int32)
            x = xyv[0]
            y = xyv[1]
            rs = jnp.minimum((jnp.maximum(x - _RADIUS, 0) // 8) * 8, h - _ROWS)
            cs = jnp.minimum((jnp.maximum(y - _RADIUS, 0) // 128) * 128,
                             w - 128)
            rs = pl.multiple_of(rs, 8)
            cs = pl.multiple_of(cs, 128)
            cs2 = pl.multiple_of(cs + 128, 128)
            need2 = (jnp.minimum(y + _RADIUS, w - 1) // 128) * 128 > cs
            js = ((jnp.maximum(y - _RADIUS, 0) - cs) // _LANES) * _LANES
            cp_l = pltpu.async_copy(
                fm.at[b, p, pl.ds(rs, _ROWS), pl.ds(cs, 128)],
                slab_l.at[:, 0:128], sem_l)
            cp_x = pltpu.async_copy(
                fm.at[b, P + p, pl.ds(rs, _ROWS), pl.ds(cs, 128)],
                slab_x.at[:, 0:128], sem_x)
            cp_y = pltpu.async_copy(
                fm.at[b, 2 * P + p, pl.ds(rs, _ROWS), pl.ds(cs, 128)],
                slab_y.at[:, 0:128], sem_y)

            @pl.when(need2)
            def _():
                cp2_l = pltpu.async_copy(
                    fm.at[b, p, pl.ds(rs, _ROWS), pl.ds(cs2, 128)],
                    slab_l.at[:, 128:256], sem_l2)
                cp2_x = pltpu.async_copy(
                    fm.at[b, P + p, pl.ds(rs, _ROWS), pl.ds(cs2, 128)],
                    slab_x.at[:, 128:256], sem_x2)
                cp2_y = pltpu.async_copy(
                    fm.at[b, 2 * P + p, pl.ds(rs, _ROWS), pl.ds(cs2, 128)],
                    slab_y.at[:, 128:256], sem_y2)
                cp2_l.wait()
                cp2_x.wait()
                cp2_y.wait()

            cp_l.wait()
            cp_x.wait()
            cp_y.wait()

            zero = jnp.zeros((_LANES,), jnp.float32)

            def row_body(i, accs):
                d, n, ax, ay = accs
                r = rs + i
                dr = r - x
                dr2 = dr * dr
                rampx = (x - r).astype(jnp.float32) * (1.0 / _RADIUS)
                for j in range(_COLS // _LANES):
                    dc = cs + js + (16 * j) + lane - y
                    m = (dc * dc + dr2) <= _RAD2
                    lrow = slab_l[i, pl.ds(js + 16 * j, 16)]
                    d = d + jnp.where(m, lrow, 0.0)
                    n = n + jnp.where(m, 1.0, 0.0)
                    oxr = slab_x[i, pl.ds(js + 16 * j, 16)]
                    ax = ax + jnp.where(m, jnp.abs(oxr - rampx), 0.0)
                    oyr = slab_y[i, pl.ds(js + 16 * j, 16)]
                    rampy = dc.astype(jnp.float32) * (-1.0 / _RADIUS)
                    ay = ay + jnp.where(m, jnp.abs(oyr - rampy), 0.0)
                return (d, n, ax, ay)

            d, n, ax, ay = lax.fori_loop(
                0, _ROWS, row_body, (zero, zero, zero, zero))
            accv[0, :] = jnp.full((_LANES,), jnp.sum(d), jnp.float32)
            accv[1, :] = jnp.full((_LANES,), jnp.sum(n), jnp.float32)
            accv[2, :] = jnp.full((_LANES,), jnp.sum(ax), jnp.float32)
            accv[3, :] = jnp.full((_LANES,), jnp.sum(ay), jnp.float32)
            pltpu.async_copy(accv, o_hbm.at[g], sem_o).wait()


def _window_sums(feature_maps, xy):
    B, F, h, w = feature_maps.shape
    P = F // 3
    G = B * P
    mesh = plsc.VectorSubcoreMesh(core_axis_name="c", subcore_axis_name="s")
    cp = pltpu.CompilerParams()
    if "needs_layout_passes" in pltpu.CompilerParams.__dataclass_fields__:
        cp = dataclasses.replace(cp, needs_layout_passes=False)
    body = pl.kernel(
        functools.partial(_window_body, B, P, h, w),
        out_type=jax.ShapeDtypeStruct((G, 4, _LANES), jnp.float32),
        mesh=mesh,
        compiler_params=cp,
        scratch_types=[
            pltpu.VMEM((_ROWS, _SLABC), jnp.float32),
            pltpu.VMEM((_ROWS, _SLABC), jnp.float32),
            pltpu.VMEM((_ROWS, _SLABC), jnp.float32),
            pltpu.VMEM((4, _LANES), jnp.float32),
            pltpu.VMEM((((2 * G + 16 + 15) // 16) * 16,), jnp.float32),
            pltpu.SemaphoreType.DMA,
            pltpu.SemaphoreType.DMA,
            pltpu.SemaphoreType.DMA,
            pltpu.SemaphoreType.DMA,
            pltpu.SemaphoreType.DMA,
            pltpu.SemaphoreType.DMA,
            pltpu.SemaphoreType.DMA,
        ],
    )
    return body(feature_maps, xy)


def kernel(feature_maps, landmarks):
    B, F, h, w = feature_maps.shape
    P = F // 3
    G = B * P
    xy = landmarks.reshape(-1)
    pad = ((2 * G + 16 + 15) // 16) * 16 - 2 * G
    xy = jnp.pad(xy, (0, pad))

    S = _dense_softplus_sum(feature_maps)
    wsums = _window_sums(feature_maps, xy)[:, :, 0]
    disk = wsums[:, 0]
    cnt = wsums[:, 1]
    l1 = wsums[:, 2] + wsums[:, 3]
    return 2.0 * (S - jnp.sum(disk)) / (G * h * w) + jnp.mean(l1 / cnt)

# --- scband reference (transcript-rebuilt; emitter-appended) ---
"""Pipeline reference for scband-heatmap-offsetmap-loss-65034394796079 (READ-ONLY COPY).

The authoritative reference and input builder live on the scoring server;
editing this copy changes nothing except your own understanding.
"""

import jax, jax.numpy as jnp
import numpy as np

HEATMAP_RADIUS = 40
OFFSETMAP_RADIUS = 40


def _build_general_maps(h, w):
    yy = jnp.arange(2 * h, dtype=jnp.float32)
    xx = jnp.arange(2 * w, dtype=jnp.float32)
    # general_offsetmap_x: (h - row_index) / offsetmap_radius, broadcast over cols
    gox = ((h - yy) / OFFSETMAP_RADIUS)[:, None] * jnp.ones((1, 2 * w), dtype=jnp.float32)
    # general_offsetmap_y: (w - col_index) / offsetmap_radius, broadcast over rows
    goy = ((w - xx) / OFFSETMAP_RADIUS)[None, :] * jnp.ones((2 * h, 1), dtype=jnp.float32)
    ygrid, xgrid = jnp.meshgrid(jnp.arange(2 * h), jnp.arange(2 * w), indexing='ij')
    dist = jnp.sqrt(((ygrid - h) ** 2 + (xgrid - w) ** 2).astype(jnp.float32))
    gheat = (dist <= HEATMAP_RADIUS).astype(jnp.float32)
    return gheat, gox, goy


def setup_inputs(seed: int = 0) -> dict:
    key = jax.random.key(seed)
    k1, k2 = jax.random.split(key)
    B, P, h, w = 4, 19, 512, 512
    feature_maps = jax.random.normal(k1, (B, 3 * P, h, w), dtype=jnp.float32)
    landmarks = jax.random.uniform(k2, (B, P, 2), dtype=jnp.float32)
    return {"feature_maps": feature_maps, "landmarks": landmarks}


def reference(feature_maps, landmarks):
    B, F, h, w = feature_maps.shape
    P = F // 3
    gheat, gox, goy = _build_general_maps(h, w)
    # landmarks scaled to pixel coords and truncated (torch .long())
    lm = (landmarks * jnp.array([h, w], dtype=jnp.float32)).astype(jnp.int32)  # (B, P, 2)
    xs = lm[..., 0].reshape(-1)
    ys = lm[..., 1].reshape(-1)

    def crop(gm, x, y):
        return jax.lax.dynamic_slice(gm, (h - x, w - y), (h, w))

    heat = jax.vmap(lambda x, y: crop(gheat, x, y))(xs, ys).reshape(B, P, h, w)
    omx = jax.vmap(lambda x, y: crop(gox, x, y))(xs, ys).reshape(B, P, h, w)
    omy = jax.vmap(lambda x, y: crop(goy, x, y))(xs, ys).reshape(B, P, h, w)

    logits = feature_maps[:, 0:P]
    off_x_pred = feature_maps[:, P:2 * P]
    off_y_pred = feature_maps[:, 2 * P:3 * P]

    # BCEWithLogitsLoss (mean over each h*w map), numerically stable
    bce = jnp.mean(jnp.maximum(logits, 0.0) - logits * heat + jnp.log1p(jnp.exp(-jnp.abs(logits))), axis=(2, 3))  # (B, P)

    mask = (heat > 0).astype(jnp.float32)
    cnt = jnp.sum(mask, axis=(2, 3))  # (B, P), always >= 1 (center pixel)
    l1x = jnp.sum(jnp.abs(off_x_pred - omx) * mask, axis=(2, 3)) / cnt
    l1y = jnp.sum(jnp.abs(off_y_pred - omy) * mask, axis=(2, 3)) / cnt

    loss = jnp.mean(2.0 * bce + l1x + l1y)
    return loss

if __name__ == "__main__":
    import jax
    _d = setup_inputs()
    print(jax.jit(kernel)(*tuple(_d.values())))

</pallas_src>

<mosaic_0001>
#map = affine_map<(d0, d1) -> (0, 0, 0, 0)>
#map1 = affine_map<(d0, d1) -> (0)>
#map2 = affine_map<(d0, d1) -> (0, 0, 0)>
module attributes {stable_mosaic.version = 14 : i64} {
  func.func @_window_body(%arg0: i32, %arg1: i32, %arg2: memref<4x57x512x512xf32, #tpu.memory_space<hbm>>, %arg3: memref<176xf32, #tpu.memory_space<hbm>>, %arg4: memref<76x4x16xf32, #tpu.memory_space<hbm>>, %arg5: memref<88x256xf32, #tpu.memory_space<vmem>>, %arg6: memref<88x256xf32, #tpu.memory_space<vmem>>, %arg7: memref<88x256xf32, #tpu.memory_space<vmem>>, %arg8: memref<4x16xf32, #tpu.memory_space<vmem>>, %arg9: memref<176xf32, #tpu.memory_space<vmem>>, %arg10: memref<!tpu.dma_semaphore, #tpu.memory_space<semaphore_mem>>, %arg11: memref<!tpu.dma_semaphore, #tpu.memory_space<semaphore_mem>>, %arg12: memref<!tpu.dma_semaphore, #tpu.memory_space<semaphore_mem>>, %arg13: memref<!tpu.dma_semaphore, #tpu.memory_space<semaphore_mem>>, %arg14: memref<!tpu.dma_semaphore, #tpu.memory_space<semaphore_mem>>, %arg15: memref<!tpu.dma_semaphore, #tpu.memory_space<semaphore_mem>>, %arg16: memref<!tpu.dma_semaphore, #tpu.memory_space<semaphore_mem>>) attributes {dimension_semantics = [#tpu.dimension_semantics<core_parallel>, #tpu.dimension_semantics<subcore_parallel>], iteration_bounds = array<i64: 2, 16>, scalar_prefetch = 0 : i64, scratch_operands = 12 : i64, tpu.core_type = #tpu.core_type<sc_vector_subcore>, window_params = [{transform_indices = #map}, {transform_indices = #map1}, {transform_indices = #map2}]} {
    %mul3A = arith.constant 16 : i32
    %mul3A_0 = arith.muli %arg0, %mul3A : i32
    %add3A = arith.addi %mul3A_0, %arg1 : i32
    tpu.enqueue_dma source(%arg3 : memref<176xf32, #tpu.memory_space<hbm>>) target(%arg9 : memref<176xf32, #tpu.memory_space<vmem>>) target_semaphore(%arg10 : memref<!tpu.dma_semaphore, #tpu.memory_space<semaphore_mem>>)
    tpu.wait_dma2 semaphore(%arg10 : memref<!tpu.dma_semaphore, #tpu.memory_space<semaphore_mem>>) src(%arg3 : memref<176xf32, #tpu.memory_space<hbm>>) dst(%arg9 : memref<176xf32, #tpu.memory_space<vmem>>)
    %iota3A = tpu.iota {dimensions = array<i32: 0>} : vector<16xi32>
    %and3A = arith.constant 1 : i32
    %and3A_1 = vector.broadcast %and3A : i32 to vector<16xi32>
    %and3A_2 = arith.andi %iota3A, %and3A_1 : vector<16xi32>
    %eq3A = arith.constant 0 : i32
    %eq3A_3 = vector.broadcast %eq3A : i32 to vector<16xi32>
    %eq3A_4 = arith.cmpi eq, %and3A_2, %eq3A_3 : vector<16xi32>
    %jit3A = arith.constant 5.120000e+02 : f32
    %jit3A_5 = arith.constant 5.120000e+02 : f32
    %broadcast_in_dim3A = vector.broadcast %jit3A : f32 to vector<16xf32>
    %broadcast_in_dim3A_6 = vector.broadcast %jit3A_5 : f32 to vector<16xf32>
    %select_n3A = arith.select %eq3A_4, %broadcast_in_dim3A, %broadcast_in_dim3A_6 : vector<16xi1>, vector<16xf32>
    %scan3A = arith.constant 0 : i32
    %scan3A_7 = arith.constant 3 : i32
    %scan3A_8 = arith.addi %scan3A, %scan3A_7 : i32
    %scan3A_9 = arith.constant 1 : i32
    scf.for %scan3A_11 = %scan3A to %scan3A_8 step %scan3A_9  : i32 {
      %mul3A_12 = arith.constant 1 : i32
      %mul3A_13 = arith.muli %scan3A_11, %mul3A_12 : i32
      %add3A_14 = arith.constant 0 : i32
      %add3A_15 = arith.addi %add3A_14, %mul3A_13 : i32
      %mul3A_16 = arith.constant 32 : i32
      %mul3A_17 = arith.muli %mul3A_16, %add3A_15 : i32
      %add3A_18 = arith.addi %add3A, %mul3A_17 : i32
      %lt3A = arith.constant 76 : i32
      %lt3A_19 = arith.cmpi slt, %add3A_18, %lt3A : i32
      %convert_element_type3A = arith.extui %lt3A_19 : i1 to i32
      %cond3A = arith.constant 0 : i32
      %cond3A_20 = arith.cmpi ne, %convert_element_type3A, %cond3A : i32
      scf.if %cond3A_20 {
        %jit3A_21 = arith.constant 19 : i32
        %div3A = arith.divsi %add3A_18, %jit3A_21 : i32
        %sign3A = arith.constant 0 : i32
        %sign3A_22 = arith.cmpi sgt, %add3A_18, %sign3A : i32
        %sign3A_23 = arith.extui %sign3A_22 : i1 to i32
        %sign3A_24 = arith.constant 0 : i32
        %sign3A_25 = arith.cmpi slt, %add3A_18, %sign3A_24 : i32
        %sign3A_26 = arith.extui %sign3A_25 : i1 to i32
        %sign3A_27 = arith.subi %sign3A_23, %sign3A_26 : i32
        %sign3A_28 = arith.constant 0 : i32
        %sign3A_29 = arith.cmpi sgt, %jit3A_21, %sign3A_28 : i32
        %sign3A_30 = arith.extui %sign3A_29 : i1 to i32
        %sign3A_31 = arith.constant 0 : i32
        %sign3A_32 = arith.cmpi slt, %jit3A_21, %sign3A_31 : i32
        %sign3A_33 = arith.extui %sign3A_32 : i1 to i32
        %sign3A_34 = arith.subi %sign3A_30, %sign3A_33 : i32
        %ne3A = arith.cmpi ne, %sign3A_27, %sign3A_34 : i32
        %rem3A = arith.remsi %add3A_18, %jit3A_21 : i32
        %ne3A_35 = arith.constant 0 : i32
        %ne3A_36 = arith.cmpi ne, %rem3A, %ne3A_35 : i32
        %and3A_37 = arith.andi %ne3A, %ne3A_36 : i1
        %sub3A = arith.constant 1 : i32
        %sub3A_38 = arith.subi %div3A, %sub3A : i32
        %select_n3A_39 = arith.select %and3A_37, %sub3A_38, %div3A : i32
        %jit3A_40 = arith.constant 19 : i32
        %eq3A_41 = arith.constant 0 : i32
        %eq3A_42 = arith.cmpi eq, %jit3A_40, %eq3A_41 : i32
        %jit3A_43 = arith.constant 1 : i32
        %select_n3A_44 = arith.select %eq3A_42, %jit3A_43, %jit3A_40 : i32
        %rem3A_45 = arith.remsi %add3A_18, %select_n3A_44 : i32
        %ne3A_46 = arith.constant 0 : i32
        %ne3A_47 = arith.cmpi ne, %rem3A_45, %ne3A_46 : i32
        %lt3A_48 = arith.constant 0 : i32
        %lt3A_49 = arith.cmpi slt, %rem3A_45, %lt3A_48 : i32
        %lt3A_50 = arith.constant 0 : i32
        %lt3A_51 = arith.cmpi slt, %select_n3A_44, %lt3A_50 : i32
        %ne3A_52 = arith.xori %lt3A_49, %lt3A_51 : i1
        %and3A_53 = arith.andi %ne3A_52, %ne3A_47 : i1
        %add3A_54 = arith.addi %rem3A_45, %select_n3A_44 : i32
        %select_n3A_55 = arith.select %and3A_53, %add3A_54, %rem3A_45 : i32
        %mul3A_56 = arith.constant 2 : i32
        %mul3A_57 = arith.muli %mul3A_56, %add3A_18 : i32
        %get3A = arith.index_cast %mul3A_57 : i32 to index
        %get3A_58 = tpu.vector_load %arg9[%get3A] {strides = array<i32>} : memref<176xf32, #tpu.memory_space<vmem>>, vector<16xf32>,
        %mul3A_59 = arith.mulf %get3A_58, %select_n3A : vector<16xf32>
        %convert_element_type3A_60 = arith.fptosi %mul3A_59 : vector<16xf32> to vector<16xi32>
        %slice3A = vector.extract_strided_slice %convert_element_type3A_60 {offsets = [0], sizes = [1], strides = [1]} : vector<16xi32> to vector<1xi32>
        %squeeze3A = vector.extract %slice3A[0] : i32 from vector<1xi32>
        %slice3A_61 = vector.extract_strided_slice %convert_element_type3A_60 {offsets = [1], sizes = [1], strides = [1]} : vector<16xi32> to vector<1xi32>
        %squeeze3A_62 = vector.extract %slice3A_61[0] : i32 from vector<1xi32>
        %sub3A_63 = arith.constant 40 : i32
        %sub3A_64 = arith.subi %squeeze3A, %sub3A_63 : i32
        %max3A = arith.constant 0 : i32
        %max3A_65 = arith.maxsi %sub3A_64, %max3A : i32
        %jit3A_66 = arith.constant 8 : i32
        %div3A_67 = arith.divsi %max3A_65, %jit3A_66 : i32
        %sign3A_68 = arith.constant 0 : i32
        %sign3A_69 = arith.cmpi sgt, %max3A_65, %sign3A_68 : i32
        %sign3A_70 = arith.extui %sign3A_69 : i1 to i32
        %sign3A_71 = arith.constant 0 : i32
        %sign3A_72 = arith.cmpi slt, %max3A_65, %sign3A_71 : i32
        %sign3A_73 = arith.extui %sign3A_72 : i1 to i32
        %sign3A_74 = arith.subi %sign3A_70, %sign3A_73 : i32
        %sign3A_75 = arith.constant 0 : i32
        %sign3A_76 = arith.cmpi sgt, %jit3A_66, %sign3A_75 : i32
        %sign3A_77 = arith.extui %sign3A_76 : i1 to i32
        %sign3A_78 = arith.constant 0 : i32
        %sign3A_79 = arith.cmpi slt, %jit3A_66, %sign3A_78 : i32
        %sign3A_80 = arith.extui %sign3A_79 : i1 to i32
        %sign3A_81 = arith.subi %sign3A_77, %sign3A_80 : i32
        %ne3A_82 = arith.cmpi ne, %sign3A_74, %sign3A_81 : i32
        %rem3A_83 = arith.remsi %max3A_65, %jit3A_66 : i32
        %ne3A_84 = arith.constant 0 : i32
        %ne3A_85 = arith.cmpi ne, %rem3A_83, %ne3A_84 : i32
        %and3A_86 = arith.andi %ne3A_82, %ne3A_85 : i1
        %sub3A_87 = arith.constant 1 : i32
        %sub3A_88 = arith.subi %div3A_67, %sub3A_87 : i32
        %select_n3A_89 = arith.select %and3A_86, %sub3A_88, %div3A_67 : i32
        %mul3A_90 = arith.constant 8 : i32
        %mul3A_91 = arith.muli %select_n3A_89, %mul3A_90 : i32
        %min3A = arith.constant 424 : i32
        %min3A_92 = arith.minsi %mul3A_91, %min3A : i32
        %sub3A_93 = arith.constant 40 : i32
        %sub3A_94 = arith.subi %squeeze3A_62, %sub3A_93 : i32
        %max3A_95 = arith.constant 0 : i32
        %max3A_96 = arith.maxsi %sub3A_94, %max3A_95 : i32
        %jit3A_97 = arith.constant 128 : i32
        %div3A_98 = arith.divsi %max3A_96, %jit3A_97 : i32
        %sign3A_99 = arith.constant 0 : i32
        %sign3A_100 = arith.cmpi sgt, %max3A_96, %sign3A_99 : i32
        %sign3A_101 = arith.extui %sign3A_100 : i1 to i32
        %sign3A_102 = arith.constant 0 : i32
        %sign3A_103 = arith.cmpi slt, %max3A_96, %sign3A_102 : i32
        %sign3A_104 = arith.extui %sign3A_103 : i1 to i32
        %sign3A_105 = arith.subi %sign3A_101, %sign3A_104 : i32
        %sign3A_106 = arith.constant 0 : i32
        %sign3A_107 = arith.cmpi sgt, %jit3A_97, %sign3A_106 : i32
        %sign3A_108 = arith.extui %sign3A_107 : i1 to i32
        %sign3A_109 = arith.constant 0 : i32
        %sign3A_110 = arith.cmpi slt, %jit3A_97, %sign3A_109 : i32
        %sign3A_111 = arith.extui %sign3A_110 : i1 to i32
        %sign3A_112 = arith.subi %sign3A_108, %sign3A_111 : i32
        %ne3A_113 = arith.cmpi ne, %sign3A_105, %sign3A_112 : i32
        %rem3A_114 = arith.remsi %max3A_96, %jit3A_97 : i32
        %ne3A_115 = arith.constant 0 : i32
        %ne3A_116 = arith.cmpi ne, %rem3A_114, %ne3A_115 : i32
        %and3A_117 = arith.andi %ne3A_113, %ne3A_116 : i1
        %sub3A_118 = arith.constant 1 : i32
        %sub3A_119 = arith.subi %div3A_98, %sub3A_118 : i32
        %select_n3A_120 = arith.select %and3A_117, %sub3A_119, %div3A_98 : i32
        %mul3A_121 = arith.constant 128 : i32
        %mul3A_122 = arith.muli %select_n3A_120, %mul3A_121 : i32
        %min3A_123 = arith.constant 384 : i32
        %min3A_124 = arith.minsi %mul3A_122, %min3A_123 : i32
        %multiple_of3A = tpu.assume_multiple %min3A_92, 8 : i32
        %multiple_of3A_125 = tpu.assume_multiple %min3A_124, 128 : i32
        %add3A_126 = arith.constant 128 : i32
        %add3A_127 = arith.addi %multiple_of3A_125, %add3A_126 : i32
        %multiple_of3A_128 = tpu.assume_multiple %add3A_127, 128 : i32
        %add3A_129 = arith.constant 40 : i32
        %add3A_130 = arith.addi %squeeze3A_62, %add3A_129 : i32
        %min3A_131 = arith.constant 511 : i32
        %min3A_132 = arith.minsi %add3A_130, %min3A_131 : i32
        %jit3A_133 = arith.constant 128 : i32
        %div3A_134 = arith.divsi %min3A_132, %jit3A_133 : i32
        %sign3A_135 = arith.constant 0 : i32
        %sign3A_136 = arith.cmpi sgt, %min3A_132, %sign3A_135 : i32
        %sign3A_137 = arith.extui %sign3A_136 : i1 to i32
        %sign3A_138 = arith.constant 0 : i32
        %sign3A_139 = arith.cmpi slt, %min3A_132, %sign3A_138 : i32
        %sign3A_140 = arith.extui %sign3A_139 : i1 to i32
        %sign3A_141 = arith.subi %sign3A_137, %sign3A_140 : i32
        %sign3A_142 = arith.constant 0 : i32
        %sign3A_143 = arith.cmpi sgt, %jit3A_133, %sign3A_142 : i32
        %sign3A_144 = arith.extui %sign3A_143 : i1 to i32
        %sign3A_145 = arith.constant 0 : i32
        %sign3A_146 = arith.cmpi slt, %jit3A_133, %sign3A_145 : i32
        %sign3A_147 = arith.extui %sign3A_146 : i1 to i32
        %sign3A_148 = arith.subi %sign3A_144, %sign3A_147 : i32
        %ne3A_149 = arith.cmpi ne, %sign3A_141, %sign3A_148 : i32
        %rem3A_150 = arith.remsi %min3A_132, %jit3A_133 : i32
        %ne3A_151 = arith.constant 0 : i32
        %ne3A_152 = arith.cmpi ne, %rem3A_150, %ne3A_151 : i32
        %and3A_153 = arith.andi %ne3A_149, %ne3A_152 : i1
        %sub3A_154 = arith.constant 1 : i32
        %sub3A_155 = arith.subi %div3A_134, %sub3A_154 : i32
        %select_n3A_156 = arith.select %and3A_153, %sub3A_155, %div3A_134 : i32
        %mul3A_157 = arith.constant 128 : i32
        %mul3A_158 = arith.muli %select_n3A_156, %mul3A_157 : i32
        %gt3A = arith.cmpi sgt, %mul3A_158, %multiple_of3A_125 : i32
        %sub3A_159 = arith.constant 40 : i32
        %sub3A_160 = arith.subi %squeeze3A_62, %sub3A_159 : i32
        %max3A_161 = arith.constant 0 : i32
        %max3A_162 = arith.maxsi %sub3A_160, %max3A_161 : i32
        %sub3A_163 = arith.subi %max3A_162, %multiple_of3A_125 : i32
        %jit3A_164 = arith.constant 16 : i32
        %div3A_165 = arith.divsi %sub3A_163, %jit3A_164 : i32
        %sign3A_166 = arith.constant 0 : i32
        %sign3A_167 = arith.cmpi sgt, %sub3A_163, %sign3A_166 : i32
        %sign3A_168 = arith.extui %sign3A_167 : i1 to i32
        %sign3A_169 = arith.constant 0 : i32
        %sign3A_170 = arith.cmpi slt, %sub3A_163, %sign3A_169 : i32
        %sign3A_171 = arith.extui %sign3A_170 : i1 to i32
        %sign3A_172 = arith.subi %sign3A_168, %sign3A_171 : i32
        %sign3A_173 = arith.constant 0 : i32
        %sign3A_174 = arith.cmpi sgt, %jit3A_164, %sign3A_173 : i32
        %sign3A_175 = arith.extui %sign3A_174 : i1 to i32
        %sign3A_176 = arith.constant 0 : i32
        %sign3A_177 = arith.cmpi slt, %jit3A_164, %sign3A_176 : i32
        %sign3A_178 = arith.extui %sign3A_177 : i1 to i32
        %sign3A_179 = arith.subi %sign3A_175, %sign3A_178 : i32
        %ne3A_180 = arith.cmpi ne, %sign3A_172, %sign3A_179 : i32
        %rem3A_181 = arith.remsi %sub3A_163, %jit3A_164 : i32
        %ne3A_182 = arith.constant 0 : i32
        %ne3A_183 = arith.cmpi ne, %rem3A_181, %ne3A_182 : i32
        %and3A_184 = arith.andi %ne3A_180, %ne3A_183 : i1
        %sub3A_185 = arith.constant 1 : i32
        %sub3A_186 = arith.subi %div3A_165, %sub3A_185 : i32
        %select_n3A_187 = arith.select %and3A_184, %sub3A_186, %div3A_165 : i32
        %mul3A_188 = arith.constant 16 : i32
        %mul3A_189 = arith.muli %select_n3A_187, %mul3A_188 : i32
        %dma_start3A = arith.constant 0 : i32
        %dma_start3A_190 = arith.constant 0 : i32
        %dma_start3A_191 = tpu.memref_slice %arg5[%dma_start3A, %dma_start3A_190] : memref<88x256xf32, #tpu.memory_space<vmem>> -> memref<88x128xf32, #tpu.memory_space<vmem>>
        %dma_start3A_192 = tpu.memref_slice %arg2[%select_n3A_39, %select_n3A_55, %multiple_of3A, %multiple_of3A_125] : memref<4x57x512x512xf32, #tpu.memory_space<hbm>> -> memref<1x1x88x128xf32, #tpu.memory_space<hbm>>
        %dma_start3A_193 = tpu.memref_squeeze %dma_start3A_192 : memref<1x1x88x128xf32, #tpu.memory_space<hbm>> -> memref<88x128xf32, #tpu.memory_space<hbm>>
        %dma_start3A_194 = arith.constant 0 : i32
        %dma_start3A_195 = arith.constant 0 : i32
        %dma_start3A_196 = tpu.memref_slice %arg5[%dma_start3A_194, %dma_start3A_195] : memref<88x256xf32, #tpu.memory_space<vmem>> -> memref<88x128xf32, #tpu.memory_space<vmem>>
        %dma_start3A_197 = tpu.memref_slice %arg2[%select_n3A_39, %select_n3A_55, %multiple_of3A, %multiple_of3A_125] : memref<4x57x512x512xf32, #tpu.memory_space<hbm>> -> memref<1x1x88x128xf32, #tpu.memory_space<hbm>>
        %dma_start3A_198 = tpu.memref_squeeze %dma_start3A_197 : memref<1x1x88x128xf32, #tpu.memory_space<hbm>> -> memref<88x128xf32, #tpu.memory_space<hbm>>
        tpu.enqueue_dma source(%dma_start3A_198 : memref<88x128xf32, #tpu.memory_space<hbm>>) target(%dma_start3A_196 : memref<88x128xf32, #tpu.memory_space<vmem>>) target_semaphore(%arg10 : memref<!tpu.dma_semaphore, #tpu.memory_space<semaphore_mem>>)
        %add3A_199 = arith.constant 19 : i32
        %add3A_200 = arith.addi %add3A_199, %select_n3A_55 : i32
        %dma_start3A_201 = arith.constant 0 : i32
        %dma_start3A_202 = arith.constant 0 : i32
        %dma_start3A_203 = tpu.memref_slice %arg6[%dma_start3A_201, %dma_start3A_202] : memref<88x256xf32, #tpu.memory_space<vmem>> -> memref<88x128xf32, #tpu.memory_space<vmem>>
        %dma_start3A_204 = tpu.memref_slice %arg2[%select_n3A_39, %add3A_200, %multiple_of3A, %multiple_of3A_125] : memref<4x57x512x512xf32, #tpu.memory_space<hbm>> -> memref<1x1x88x128xf32, #tpu.memory_space<hbm>>
        %dma_start3A_205 = tpu.memref_squeeze %dma_start3A_204 : memref<1x1x88x128xf32, #tpu.memory_space<hbm>> -> memref<88x128xf32, #tpu.memory_space<hbm>>
        %dma_start3A_206 = arith.constant 0 : i32
        %dma_start3A_207 = arith.constant 0 : i32
        %dma_start3A_208 = tpu.memref_slice %arg6[%dma_start3A_206, %dma_start3A_207] : memref<88x256xf32, #tpu.memory_space<vmem>> -> memref<88x128xf32, #tpu.memory_space<vmem>>
        %dma_start3A_209 = tpu.memref_slice %arg2[%select_n3A_39, %add3A_200, %multiple_of3A, %multiple_of3A_125] : memref<4x57x512x512xf32, #tpu.memory_space<hbm>> -> memref<1x1x88x128xf32, #tpu.memory_space<hbm>>
        %dma_start3A_210 = tpu.memref_squeeze %dma_start3A_209 : memref<1x1x88x128xf32, #tpu.memory_space<hbm>> -> memref<88x128xf32, #tpu.memory_space<hbm>>
        tpu.enqueue_dma source(%dma_start3A_210 : memref<88x128xf32, #tpu.memory_space<hbm>>) target(%dma_start3A_208 : memref<88x128xf32, #tpu.memory_space<vmem>>) target_semaphore(%arg11 : memref<!tpu.dma_semaphore, #tpu.memory_space<semaphore_mem>>)
        %add3A_211 = arith.constant 38 : i32
        %add3A_212 = arith.addi %add3A_211, %select_n3A_55 : i32
        %dma_start3A_213 = arith.constant 0 : i32
        %dma_start3A_214 = arith.constant 0 : i32
        %dma_start3A_215 = tpu.memref_slice %arg7[%dma_start3A_213, %dma_start3A_214] : memref<88x256xf32, #tpu.memory_space<vmem>> -> memref<88x128xf32, #tpu.memory_space<vmem>>
        %dma_start3A_216 = tpu.memref_slice %arg2[%select_n3A_39, %add3A_212, %multiple_of3A, %multiple_of3A_125] : memref<4x57x512x512xf32, #tpu.memory_space<hbm>> -> memref<1x1x88x128xf32, #tpu.memory_space<hbm>>
        %dma_start3A_217 = tpu.memref_squeeze %dma_start3A_216 : memref<1x1x88x128xf32, #tpu.memory_space<hbm>> -> memref<88x128xf32, #tpu.memory_space<hbm>>
        %dma_start3A_218 = arith.constant 0 : i32
        %dma_start3A_219 = arith.constant 0 : i32
        %dma_start3A_220 = tpu.memref_slice %arg7[%dma_start3A_218, %dma_start3A_219] : memref<88x256xf32, #tpu.memory_space<vmem>> -> memref<88x128xf32, #tpu.memory_space<vmem>>
        %dma_start3A_221 = tpu.memref_slice %arg2[%select_n3A_39, %add3A_212, %multiple_of3A, %multiple_of3A_125] : memref<4x57x512x512xf32, #tpu.memory_space<hbm>> -> memref<1x1x88x128xf32, #tpu.memory_space<hbm>>
        %dma_start3A_222 = tpu.memref_squeeze %dma_start3A_221 : memref<1x1x88x128xf32, #tpu.memory_space<hbm>> -> memref<88x128xf32, #tpu.memory_space<hbm>>
        tpu.enqueue_dma source(%dma_start3A_222 : memref<88x128xf32, #tpu.memory_space<hbm>>) target(%dma_start3A_220 : memref<88x128xf32, #tpu.memory_space<vmem>>) target_semaphore(%arg12 : memref<!tpu.dma_semaphore, #tpu.memory_space<semaphore_mem>>)
        %convert_element_type3A_223 = arith.extui %gt3A : i1 to i32
        %cond3A_224 = arith.constant 0 : i32
        %cond3A_225 = arith.cmpi ne, %convert_element_type3A_223, %cond3A_224 : i32
        scf.if %cond3A_225 {
          %dma_start3A_313 = arith.constant 0 : i32
          %dma_start3A_314 = arith.constant 128 : i32
          %dma_start3A_315 = tpu.memref_slice %arg5[%dma_start3A_313, %dma_start3A_314] : memref<88x256xf32, #tpu.memory_space<vmem>> -> memref<88x128xf32, #tpu.memory_space<vmem>>
          %dma_start3A_316 = tpu.memref_slice %arg2[%select_n3A_39, %select_n3A_55, %multiple_of3A, %multiple_of3A_128] : memref<4x57x512x512xf32, #tpu.memory_space<hbm>> -> memref<1x1x88x128xf32, #tpu.memory_space<hbm>>
          %dma_start3A_317 = tpu.memref_squeeze %dma_start3A_316 : memref<1x1x88x128xf32, #tpu.memory_space<hbm>> -> memref<88x128xf32, #tpu.memory_space<hbm>>
          %dma_start3A_318 = arith.constant 0 : i32
          %dma_start3A_319 = arith.constant 128 : i32
          %dma_start3A_320 = tpu.memref_slice %arg5[%dma_start3A_318, %dma_start3A_319] : memref<88x256xf32, #tpu.memory_space<vmem>> -> memref<88x128xf32, #tpu.memory_space<vmem>>
          %dma_start3A_321 = tpu.memref_slice %arg2[%select_n3A_39, %select_n3A_55, %multiple_of3A, %multiple_of3A_128] : memref<4x57x512x512xf32, #tpu.memory_space<hbm>> -> memref<1x1x88x128xf32, #tpu.memory_space<hbm>>
          %dma_start3A_322 = tpu.memref_squeeze %dma_start3A_321 : memref<1x1x88x128xf32, #tpu.memory_space<hbm>> -> memref<88x128xf32, #tpu.memory_space<hbm>>
          tpu.enqueue_dma source(%dma_start3A_322 : memref<88x128xf32, #tpu.memory_space<hbm>>) target(%dma_start3A_320 : memref<88x128xf32, #tpu.memory_space<vmem>>) target_semaphore(%arg13 : memref<!tpu.dma_semaphore, #tpu.memory_space<semaphore_mem>>)
          %add3A_323 = arith.constant 19 : i32
          %add3A_324 = arith.addi %add3A_323, %select_n3A_55 : i32
          %dma_start3A_325 = arith.constant 0 : i32
          %dma_start3A_326 = arith.constant 128 : i32
          %dma_start3A_327 = tpu.memref_slice %arg6[%dma_start3A_325, %dma_start3A_326] : memref<88x256xf32, #tpu.memory_space<vmem>> -> memref<88x128xf32, #tpu.memory_space<vmem>>
          %dma_start3A_328 = tpu.memref_slice %arg2[%select_n3A_39, %add3A_324, %multiple_of3A, %multiple_of3A_128] : memref<4x57x512x512xf32, #tpu.memory_space<hbm>> -> memref<1x1x88x128xf32, #tpu.memory_space<hbm>>
          %dma_start3A_329 = tpu.memref_squeeze %dma_start3A_328 : memref<1x1x88x128xf32, #tpu.memory_space<hbm>> -> memref<88x128xf32, #tpu.memory_space<hbm>>
          %dma_start3A_330 = arith.constant 0 : i32
          %dma_start3A_331 = arith.constant 128 : i32
          %dma_start3A_332 = tpu.memref_slice %arg6[%dma_start3A_330, %dma_start3A_331] : memref<88x256xf32, #tpu.memory_space<vmem>> -> memref<88x128xf32, #tpu.memory_space<vmem>>
          %dma_start3A_333 = tpu.memref_slice %arg2[%select_n3A_39, %add3A_324, %multiple_of3A, %multiple_of3A_128] : memref<4x57x512x512xf32, #tpu.memory_space<hbm>> -> memref<1x1x88x128xf32, #tpu.memory_space<hbm>>
          %dma_start3A_334 = tpu.memref_squeeze %dma_start3A_333 : memref<1x1x88x128xf32, #tpu.memory_space<hbm>> -> memref<88x128xf32, #tpu.memory_space<hbm>>
          tpu.enqueue_dma source(%dma_start3A_334 : memref<88x128xf32, #tpu.memory_space<hbm>>) target(%dma_start3A_332 : memref<88x128xf32, #tpu.memory_space<vmem>>) target_semaphore(%arg14 : memref<!tpu.dma_semaphore, #tpu.memory_space<semaphore_mem>>)
          %add3A_335 = arith.constant 38 : i32
          %add3A_336 = arith.addi %add3A_335, %select_n3A_55 : i32
          %dma_start3A_337 = arith.constant 0 : i32
          %dma_start3A_338 = arith.constant 128 : i32
          %dma_start3A_339 = tpu.memref_slice %arg7[%dma_start3A_337, %dma_start3A_338] : memref<88x256xf32, #tpu.memory_space<vmem>> -> memref<88x128xf32, #tpu.memory_space<vmem>>
          %dma_start3A_340 = tpu.memref_slice %arg2[%select_n3A_39, %add3A_336, %multiple_of3A, %multiple_of3A_128] : memref<4x57x512x512xf32, #tpu.memory_space<hbm>> -> memref<1x1x88x128xf32, #tpu.memory_space<hbm>>
          %dma_start3A_341 = tpu.memref_squeeze %dma_start3A_340 : memref<1x1x88x128xf32, #tpu.memory_space<hbm>> -> memref<88x128xf32, #tpu.memory_space<hbm>>
          %dma_start3A_342 = arith.constant 0 : i32
          %dma_start3A_343 = arith.constant 128 : i32
          %dma_start3A_344 = tpu.memref_slice %arg7[%dma_start3A_342, %dma_start3A_343] : memref<88x256xf32, #tpu.memory_space<vmem>> -> memref<88x128xf32, #tpu.memory_space<vmem>>
          %dma_start3A_345 = tpu.memref_slice %arg2[%select_n3A_39, %add3A_336, %multiple_of3A, %multiple_of3A_128] : memref<4x57x512x512xf32, #tpu.memory_space<hbm>> -> memref<1x1x88x128xf32, #tpu.memory_space<hbm>>
          %dma_start3A_346 = tpu.memref_squeeze %dma_start3A_345 : memref<1x1x88x128xf32, #tpu.memory_space<hbm>> -> memref<88x128xf32, #tpu.memory_space<hbm>>
          tpu.enqueue_dma source(%dma_start3A_346 : memref<88x128xf32, #tpu.memory_space<hbm>>) target(%dma_start3A_344 : memref<88x128xf32, #tpu.memory_space<vmem>>) target_semaphore(%arg15 : memref<!tpu.dma_semaphore, #tpu.memory_space<semaphore_mem>>)
          %dma_wait3A_347 = arith.constant 0 : i32
          %dma_wait3A_348 = arith.constant 128 : i32
          %dma_wait3A_349 = tpu.memref_slice %arg5[%dma_wait3A_347, %dma_wait3A_348] : memref<88x256xf32, #tpu.memory_space<vmem>> -> memref<88x128xf32, #tpu.memory_space<vmem>>
          %dma_wait3A_350 = tpu.memref_slice %arg2[%select_n3A_39, %select_n3A_55, %multiple_of3A, %multiple_of3A_128] : memref<4x57x512x512xf32, #tpu.memory_space<hbm>> -> memref<1x1x88x128xf32, #tpu.memory_space<hbm>>
          %dma_wait3A_351 = tpu.memref_squeeze %dma_wait3A_350 : memref<1x1x88x128xf32, #tpu.memory_space<hbm>> -> memref<88x128xf32, #tpu.memory_space<hbm>>
          %dma_wait3A_352 = arith.constant 0 : i32
          %dma_wait3A_353 = arith.constant 128 : i32
          %dma_wait3A_354 = tpu.memref_slice %arg5[%dma_wait3A_352, %dma_wait3A_353] : memref<88x256xf32, #tpu.memory_space<vmem>> -> memref<88x128xf32, #tpu.memory_space<vmem>>
          %dma_wait3A_355 = tpu.memref_slice %arg2[%select_n3A_39, %select_n3A_55, %multiple_of3A, %multiple_of3A_128] : memref<4x57x512x512xf32, #tpu.memory_space<hbm>> -> memref<1x1x88x128xf32, #tpu.memory_space<hbm>>
          %dma_wait3A_356 = tpu.memref_squeeze %dma_wait3A_355 : memref<1x1x88x128xf32, #tpu.memory_space<hbm>> -> memref<88x128xf32, #tpu.memory_space<hbm>>
          tpu.wait_dma2 semaphore(%arg13 : memref<!tpu.dma_semaphore, #tpu.memory_space<semaphore_mem>>) src(%dma_wait3A_356 : memref<88x128xf32, #tpu.memory_space<hbm>>) dst(%dma_wait3A_354 : memref<88x128xf32, #tpu.memory_space<vmem>>)
          %dma_wait3A_357 = arith.constant 0 : i32
          %dma_wait3A_358 = arith.constant 128 : i32
          %dma_wait3A_359 = tpu.memref_slice %arg6[%dma_wait3A_357, %dma_wait3A_358] : memref<88x256xf32, #tpu.memory_space<vmem>> -> memref<88x128xf32, #tpu.memory_space<vmem>>
          %dma_wait3A_360 = tpu.memref_slice %arg2[%select_n3A_39, %add3A_324, %multiple_of3A, %multiple_of3A_128] : memref<4x57x512x512xf32, #tpu.memory_space<hbm>> -> memref<1x1x88x128xf32, #tpu.memory_space<hbm>>
          %dma_wait3A_361 = tpu.memref_squeeze %dma_wait3A_360 : memref<1x1x88x128xf32, #tpu.memory_space<hbm>> -> memref<88x128xf32, #tpu.memory_space<hbm>>
          %dma_wait3A_362 = arith.constant 0 : i32
          %dma_wait3A_363 = arith.constant 128 : i32
          %dma_wait3A_364 = tpu.memref_slice %arg6[%dma_wait3A_362, %dma_wait3A_363] : memref<88x256xf32, #tpu.memory_space<vmem>> -> memref<88x128xf32, #tpu.memory_space<vmem>>
          %dma_wait3A_365 = tpu.memref_slice %arg2[%select_n3A_39, %add3A_324, %multiple_of3A, %multiple_of3A_128] : memref<4x57x512x512xf32, #tpu.memory_space<hbm>> -> memref<1x1x88x128xf32, #tpu.memory_space<hbm>>
          %dma_wait3A_366 = tpu.memref_squeeze %dma_wait3A_365 : memref<1x1x88x128xf32, #tpu.memory_space<hbm>> -> memref<88x128xf32, #tpu.memory_space<hbm>>
          tpu.wait_dma2 semaphore(%arg14 : memref<!tpu.dma_semaphore, #tpu.memory_space<semaphore_mem>>) src(%dma_wait3A_366 : memref<88x128xf32, #tpu.memory_space<hbm>>) dst(%dma_wait3A_364 : memref<88x128xf32, #tpu.memory_space<vmem>>)
          %dma_wait3A_367 = arith.constant 0 : i32
          %dma_wait3A_368 = arith.constant 128 : i32
          %dma_wait3A_369 = tpu.memref_slice %arg7[%dma_wait3A_367, %dma_wait3A_368] : memref<88x256xf32, #tpu.memory_space<vmem>> -> memref<88x128xf32, #tpu.memory_space<vmem>>
          %dma_wait3A_370 = tpu.memref_slice %arg2[%select_n3A_39, %add3A_336, %multiple_of3A, %multiple_of3A_128] : memref<4x57x512x512xf32, #tpu.memory_space<hbm>> -> memref<1x1x88x128xf32, #tpu.memory_space<hbm>>
          %dma_wait3A_371 = tpu.memref_squeeze %dma_wait3A_370 : memref<1x1x88x128xf32, #tpu.memory_space<hbm>> -> memref<88x128xf32, #tpu.memory_space<hbm>>
          %dma_wait3A_372 = arith.constant 0 : i32
          %dma_wait3A_373 = arith.constant 128 : i32
          %dma_wait3A_374 = tpu.memref_slice %arg7[%dma_wait3A_372, %dma_wait3A_373] : memref<88x256xf32, #tpu.memory_space<vmem>> -> memref<88x128xf32, #tpu.memory_space<vmem>>
          %dma_wait3A_375 = tpu.memref_slice %arg2[%select_n3A_39, %add3A_336, %multiple_of3A, %multiple_of3A_128] : memref<4x57x512x512xf32, #tpu.memory_space<hbm>> -> memref<1x1x88x128xf32, #tpu.memory_space<hbm>>
          %dma_wait3A_376 = tpu.memref_squeeze %dma_wait3A_375 : memref<1x1x88x128xf32, #tpu.memory_space<hbm>> -> memref<88x128xf32, #tpu.memory_space<hbm>>
          tpu.wait_dma2 semaphore(%arg15 : memref<!tpu.dma_semaphore, #tpu.memory_space<semaphore_mem>>) src(%dma_wait3A_376 : memref<88x128xf32, #tpu.memory_space<hbm>>) dst(%dma_wait3A_374 : memref<88x128xf32, #tpu.memory_space<vmem>>)
        } else {
        }
        %dma_wait3A = arith.constant 0 : i32
        %dma_wait3A_226 = arith.constant 0 : i32
        %dma_wait3A_227 = tpu.memref_slice %arg5[%dma_wait3A, %dma_wait3A_226] : memref<88x256xf32, #tpu.memory_space<vmem>> -> memref<88x128xf32, #tpu.memory_space<vmem>>
        %dma_wait3A_228 = tpu.memref_slice %arg2[%select_n3A_39, %select_n3A_55, %multiple_of3A, %multiple_of3A_125] : memref<4x57x512x512xf32, #tpu.memory_space<hbm>> -> memref<1x1x88x128xf32, #tpu.memory_space<hbm>>
        %dma_wait3A_229 = tpu.memref_squeeze %dma_wait3A_228 : memref<1x1x88x128xf32, #tpu.memory_space<hbm>> -> memref<88x128xf32, #tpu.memory_space<hbm>>
        %dma_wait3A_230 = arith.constant 0 : i32
        %dma_wait3A_231 = arith.constant 0 : i32
        %dma_wait3A_232 = tpu.memref_slice %arg5[%dma_wait3A_230, %dma_wait3A_231] : memref<88x256xf32, #tpu.memory_space<vmem>> -> memref<88x128xf32, #tpu.memory_space<vmem>>
        %dma_wait3A_233 = tpu.memref_slice %arg2[%select_n3A_39, %select_n3A_55, %multiple_of3A, %multiple_of3A_125] : memref<4x57x512x512xf32, #tpu.memory_space<hbm>> -> memref<1x1x88x128xf32, #tpu.memory_space<hbm>>
        %dma_wait3A_234 = tpu.memref_squeeze %dma_wait3A_233 : memref<1x1x88x128xf32, #tpu.memory_space<hbm>> -> memref<88x128xf32, #tpu.memory_space<hbm>>
        tpu.wait_dma2 semaphore(%arg10 : memref<!tpu.dma_semaphore, #tpu.memory_space<semaphore_mem>>) src(%dma_wait3A_234 : memref<88x128xf32, #tpu.memory_space<hbm>>) dst(%dma_wait3A_232 : memref<88x128xf32, #tpu.memory_space<vmem>>)
        %dma_wait3A_235 = arith.constant 0 : i32
        %dma_wait3A_236 = arith.constant 0 : i32
        %dma_wait3A_237 = tpu.memref_slice %arg6[%dma_wait3A_235, %dma_wait3A_236] : memref<88x256xf32, #tpu.memory_space<vmem>> -> memref<88x128xf32, #tpu.memory_space<vmem>>
        %dma_wait3A_238 = tpu.memref_slice %arg2[%select_n3A_39, %add3A_200, %multiple_of3A, %multiple_of3A_125] : memref<4x57x512x512xf32, #tpu.memory_space<hbm>> -> memref<1x1x88x128xf32, #tpu.memory_space<hbm>>
        %dma_wait3A_239 = tpu.memref_squeeze %dma_wait3A_238 : memref<1x1x88x128xf32, #tpu.memory_space<hbm>> -> memref<88x128xf32, #tpu.memory_space<hbm>>
        %dma_wait3A_240 = arith.constant 0 : i32
        %dma_wait3A_241 = arith.constant 0 : i32
        %dma_wait3A_242 = tpu.memref_slice %arg6[%dma_wait3A_240, %dma_wait3A_241] : memref<88x256xf32, #tpu.memory_space<vmem>> -> memref<88x128xf32, #tpu.memory_space<vmem>>
        %dma_wait3A_243 = tpu.memref_slice %arg2[%select_n3A_39, %add3A_200, %multiple_of3A, %multiple_of3A_125] : memref<4x57x512x512xf32, #tpu.memory_space<hbm>> -> memref<1x1x88x128xf32, #tpu.memory_space<hbm>>
        %dma_wait3A_244 = tpu.memref_squeeze %dma_wait3A_243 : memref<1x1x88x128xf32, #tpu.memory_space<hbm>> -> memref<88x128xf32, #tpu.memory_space<hbm>>
        tpu.wait_dma2 semaphore(%arg11 : memref<!tpu.dma_semaphore, #tpu.memory_space<semaphore_mem>>) src(%dma_wait3A_244 : memref<88x128xf32, #tpu.memory_space<hbm>>) dst(%dma_wait3A_242 : memref<88x128xf32, #tpu.memory_space<vmem>>)
        %dma_wait3A_245 = arith.constant 0 : i32
        %dma_wait3A_246 = arith.constant 0 : i32
        %dma_wait3A_247 = tpu.memref_slice %arg7[%dma_wait3A_245, %dma_wait3A_246] : memref<88x256xf32, #tpu.memory_space<vmem>> -> memref<88x128xf32, #tpu.memory_space<vmem>>
        %dma_wait3A_248 = tpu.memref_slice %arg2[%select_n3A_39, %add3A_212, %multiple_of3A, %multiple_of3A_125] : memref<4x57x512x512xf32, #tpu.memory_space<hbm>> -> memref<1x1x88x128xf32, #tpu.memory_space<hbm>>
        %dma_wait3A_249 = tpu.memref_squeeze %dma_wait3A_248 : memref<1x1x88x128xf32, #tpu.memory_space<hbm>> -> memref<88x128xf32, #tpu.memory_space<hbm>>
        %dma_wait3A_250 = arith.constant 0 : i32
        %dma_wait3A_251 = arith.constant 0 : i32
        %dma_wait3A_252 = tpu.memref_slice %arg7[%dma_wait3A_250, %dma_wait3A_251] : memref<88x256xf32, #tpu.memory_space<vmem>> -> memref<88x128xf32, #tpu.memory_space<vmem>>
        %dma_wait3A_253 = tpu.memref_slice %arg2[%select_n3A_39, %add3A_212, %multiple_of3A, %multiple_of3A_125] : memref<4x57x512x512xf32, #tpu.memory_space<hbm>> -> memref<1x1x88x128xf32, #tpu.memory_space<hbm>>
        %dma_wait3A_254 = tpu.memref_squeeze %dma_wait3A_253 : memref<1x1x88x128xf32, #tpu.memory_space<hbm>> -> memref<88x128xf32, #tpu.memory_space<hbm>>
        tpu.wait_dma2 semaphore(%arg12 : memref<!tpu.dma_semaphore, #tpu.memory_space<semaphore_mem>>) src(%dma_wait3A_254 : memref<88x128xf32, #tpu.memory_space<hbm>>) dst(%dma_wait3A_252 : memref<88x128xf32, #tpu.memory_space<vmem>>)
        %broadcast_in_dim3A_255 = arith.constant 0.000000e+00 : f32
        %broadcast_in_dim3A_256 = vector.broadcast %broadcast_in_dim3A_255 : f32 to vector<16xf32>
        %scan3A_257 = arith.constant 0 : i32
        %scan3A_258 = arith.constant 88 : i32
        %scan3A_259 = arith.addi %scan3A_257, %scan3A_258 : i32
        %scan3A_260 = arith.constant 1 : i32
        %scan3A_261:4 = scf.for %scan3A_313 = %scan3A_257 to %scan3A_259 step %scan3A_260 iter_args(%scan3A_314 = %broadcast_in_dim3A_256, %scan3A_315 = %broadcast_in_dim3A_256, %scan3A_316 = %broadcast_in_dim3A_256, %scan3A_317 = %broadcast_in_dim3A_256) -> (vector<16xf32>, vector<16xf32>, vector<16xf32>, vector<16xf32>)  : i32 {
          %add3A_318 = arith.addi %multiple_of3A, %scan3A_313 : i32
          %sub3A_319 = arith.subi %add3A_318, %squeeze3A : i32
          %mul3A_320 = arith.muli %sub3A_319, %sub3A_319 : i32
          %sub3A_321 = arith.subi %squeeze3A, %add3A_318 : i32
          %convert_element_type3A_322 = arith.sitofp %sub3A_321 : i32 to f32
          %mul3A_323 = arith.constant 2.500000e-02 : f32
          %mul3A_324 = arith.mulf %convert_element_type3A_322, %mul3A_323 : f32
          %add3A_325 = arith.addi %multiple_of3A_125, %mul3A_189 : i32
          %add3A_326 = arith.constant 0 : i32
          %add3A_327 = arith.addi %add3A_325, %add3A_326 : i32
          %add3A_328 = vector.broadcast %add3A_327 : i32 to vector<16xi32>
          %add3A_329 = arith.addi %add3A_328, %iota3A : vector<16xi32>
          %sub3A_330 = vector.broadcast %squeeze3A_62 : i32 to vector<16xi32>
          %sub3A_331 = arith.subi %add3A_329, %sub3A_330 : vector<16xi32>
          %mul3A_332 = arith.muli %sub3A_331, %sub3A_331 : vector<16xi32>
          %add3A_333 = vector.broadcast %mul3A_320 : i32 to vector<16xi32>
          %add3A_334 = arith.addi %mul3A_332, %add3A_333 : vector<16xi32>
          %le3A = arith.constant 1600 : i32
          %le3A_335 = vector.broadcast %le3A : i32 to vector<16xi32>
          %le3A_336 = arith.cmpi sle, %add3A_334, %le3A_335 : vector<16xi32>
          %add3A_337 = arith.constant 0 : i32
          %add3A_338 = arith.addi %mul3A_189, %add3A_337 : i32
          %get3A_339 = arith.index_cast %scan3A_313 : i32 to index
          %get3A_340 = arith.index_cast %add3A_338 : i32 to index
          %get3A_341 = tpu.vector_load %arg5[%get3A_339, %get3A_340] {strides = array<i32>} : memref<88x256xf32, #tpu.memory_space<vmem>>, vector<16xf32>,
          %jit3A_342 = arith.constant 0.000000e+00 : f32
          %broadcast_in_dim3A_343 = vector.broadcast %jit3A_342 : f32 to vector<16xf32>
          %select_n3A_344 = arith.select %le3A_336, %get3A_341, %broadcast_in_dim3A_343 : vector<16xi1>, vector<16xf32>
          %add3A_345 = arith.addf %scan3A_314, %select_n3A_344 : vector<16xf32>
          %jit3A_346 = arith.constant 1.000000e+00 : f32
          %jit3A_347 = arith.constant 0.000000e+00 : f32
          %broadcast_in_dim3A_348 = vector.broadcast %jit3A_346 : f32 to vector<16xf32>
          %broadcast_in_dim3A_349 = vector.broadcast %jit3A_347 : f32 to vector<16xf32>
          %select_n3A_350 = arith.select %le3A_336, %broadcast_in_dim3A_348, %broadcast_in_dim3A_349 : vector<16xi1>, vector<16xf32>
          %add3A_351 = arith.addf %scan3A_315, %select_n3A_350 : vector<16xf32>
          %add3A_352 = arith.constant 0 : i32
          %add3A_353 = arith.addi %mul3A_189, %add3A_352 : i32
          %get3A_354 = arith.index_cast %scan3A_313 : i32 to index
          %get3A_355 = arith.index_cast %add3A_353 : i32 to index
          %get3A_356 = tpu.vector_load %arg6[%get3A_354, %get3A_355] {strides = array<i32>} : memref<88x256xf32, #tpu.memory_space<vmem>>, vector<16xf32>,
          %sub3A_357 = vector.broadcast %mul3A_324 : f32 to vector<16xf32>
          %sub3A_358 = arith.subf %get3A_356, %sub3A_357 : vector<16xf32>
          %abs3A = math.absf %sub3A_358 : vector<16xf32>
          %jit3A_359 = arith.constant 0.000000e+00 : f32
          %broadcast_in_dim3A_360 = vector.broadcast %jit3A_359 : f32 to vector<16xf32>
          %select_n3A_361 = arith.select %le3A_336, %abs3A, %broadcast_in_dim3A_360 : vector<16xi1>, vector<16xf32>
          %add3A_362 = arith.addf %scan3A_316, %select_n3A_361 : vector<16xf32>
          %add3A_363 = arith.constant 0 : i32
          %add3A_364 = arith.addi %mul3A_189, %add3A_363 : i32
          %get3A_365 = arith.index_cast %scan3A_313 : i32 to index
          %get3A_366 = arith.index_cast %add3A_364 : i32 to index
          %get3A_367 = tpu.vector_load %arg7[%get3A_365, %get3A_366] {strides = array<i32>} : memref<88x256xf32, #tpu.memory_space<vmem>>, vector<16xf32>,
          %convert_element_type3A_368 = arith.sitofp %sub3A_331 : vector<16xi32> to vector<16xf32>
          %mul3A_369 = arith.constant -2.500000e-02 : f32
          %mul3A_370 = vector.broadcast %mul3A_369 : f32 to vector<16xf32>
          %mul3A_371 = arith.mulf %convert_element_type3A_368, %mul3A_370 : vector<16xf32>
          %sub3A_372 = arith.subf %get3A_367, %mul3A_371 : vector<16xf32>
          %abs3A_373 = math.absf %sub3A_372 : vector<16xf32>
          %jit3A_374 = arith.constant 0.000000e+00 : f32
          %broadcast_in_dim3A_375 = vector.broadcast %jit3A_374 : f32 to vector<16xf32>
          %select_n3A_376 = arith.select %le3A_336, %abs3A_373, %broadcast_in_dim3A_375 : vector<16xi1>, vector<16xf32>
          %add3A_377 = arith.addf %scan3A_317, %select_n3A_376 : vector<16xf32>
          %add3A_378 = arith.addi %multiple_of3A_125, %mul3A_189 : i32
          %add3A_379 = arith.constant 16 : i32
          %add3A_380 = arith.addi %add3A_378, %add3A_379 : i32
          %add3A_381 = vector.broadcast %add3A_380 : i32 to vector<16xi32>
          %add3A_382 = arith.addi %add3A_381, %iota3A : vector<16xi32>
          %sub3A_383 = vector.broadcast %squeeze3A_62 : i32 to vector<16xi32>
          %sub3A_384 = arith.subi %add3A_382, %sub3A_383 : vector<16xi32>
          %mul3A_385 = arith.muli %sub3A_384, %sub3A_384 : vector<16xi32>
          %add3A_386 = vector.broadcast %mul3A_320 : i32 to vector<16xi32>
          %add3A_387 = arith.addi %mul3A_385, %add3A_386 : vector<16xi32>
          %le3A_388 = arith.constant 1600 : i32
          %le3A_389 = vector.broadcast %le3A_388 : i32 to vector<16xi32>
          %le3A_390 = arith.cmpi sle, %add3A_387, %le3A_389 : vector<16xi32>
          %add3A_391 = arith.constant 16 : i32
          %add3A_392 = arith.addi %mul3A_189, %add3A_391 : i32
          %get3A_393 = arith.index_cast %scan3A_313 : i32 to index
          %get3A_394 = arith.index_cast %add3A_392 : i32 to index
          %get3A_395 = tpu.vector_load %arg5[%get3A_393, %get3A_394] {strides = array<i32>} : memref<88x256xf32, #tpu.memory_space<vmem>>, vector<16xf32>,
          %jit3A_396 = arith.constant 0.000000e+00 : f32
          %broadcast_in_dim3A_397 = vector.broadcast %jit3A_396 : f32 to vector<16xf32>
          %select_n3A_398 = arith.select %le3A_390, %get3A_395, %broadcast_in_dim3A_397 : vector<16xi1>, vector<16xf32>
          %add3A_399 = arith.addf %add3A_345, %select_n3A_398 : vector<16xf32>
          %jit3A_400 = arith.constant 1.000000e+00 : f32
          %jit3A_401 = arith.constant 0.000000e+00 : f32
          %broadcast_in_dim3A_402 = vector.broadcast %jit3A_400 : f32 to vector<16xf32>
          %broadcast_in_dim3A_403 = vector.broadcast %jit3A_401 : f32 to vector<16xf32>
          %select_n3A_404 = arith.select %le3A_390, %broadcast_in_dim3A_402, %broadcast_in_dim3A_403 : vector<16xi1>, vector<16xf32>
          %add3A_405 = arith.addf %add3A_351, %select_n3A_404 : vector<16xf32>
          %add3A_406 = arith.constant 16 : i32
          %add3A_407 = arith.addi %mul3A_189, %add3A_406 : i32
          %get3A_408 = arith.index_cast %scan3A_313 : i32 to index
          %get3A_409 = arith.index_cast %add3A_407 : i32 to index
          %get3A_410 = tpu.vector_load %arg6[%get3A_408, %get3A_409] {strides = array<i32>} : memref<88x256xf32, #tpu.memory_space<vmem>>, vector<16xf32>,
          %sub3A_411 = vector.broadcast %mul3A_324 : f32 to vector<16xf32>
          %sub3A_412 = arith.subf %get3A_410, %sub3A_411 : vector<16xf32>
          %abs3A_413 = math.absf %sub3A_412 : vector<16xf32>
          %jit3A_414 = arith.constant 0.000000e+00 : f32
          %broadcast_in_dim3A_415 = vector.broadcast %jit3A_414 : f32 to vector<16xf32>
          %select_n3A_416 = arith.select %le3A_390, %abs3A_413, %broadcast_in_dim3A_415 : vector<16xi1>, vector<16xf32>
          %add3A_417 = arith.addf %add3A_362, %select_n3A_416 : vector<16xf32>
          %add3A_418 = arith.constant 16 : i32
          %add3A_419 = arith.addi %mul3A_189, %add3A_418 : i32
          %get3A_420 = arith.index_cast %scan3A_313 : i32 to index
          %get3A_421 = arith.index_cast %add3A_419 : i32 to index
          %get3A_422 = tpu.vector_load %arg7[%get3A_420, %get3A_421] {strides = array<i32>} : memref<88x256xf32, #tpu.memory_space<vmem>>, vector<16xf32>,
          %convert_element_type3A_423 = arith.sitofp %sub3A_384 : vector<16xi32> to vector<16xf32>
          %mul3A_424 = arith.constant -2.500000e-02 : f32
          %mul3A_425 = vector.broadcast %mul3A_424 : f32 to vector<16xf32>
          %mul3A_426 = arith.mulf %convert_element_type3A_423, %mul3A_425 : vector<16xf32>
          %sub3A_427 = arith.subf %get3A_422, %mul3A_426 : vector<16xf32>
          %abs3A_428 = math.absf %sub3A_427 : vector<16xf32>
          %jit3A_429 = arith.constant 0.000000e+00 : f32
          %broadcast_in_dim3A_430 = vector.broadcast %jit3A_429 : f32 to vector<16xf32>
          %select_n3A_431 = arith.select %le3A_390, %abs3A_428, %broadcast_in_dim3A_430 : vector<16xi1>, vector<16xf32>
          %add3A_432 = arith.addf %add3A_377, %select_n3A_431 : vector<16xf32>
          %add3A_433 = arith.addi %multiple_of3A_125, %mul3A_189 : i32
          %add3A_434 = arith.constant 32 : i32
          %add3A_435 = arith.addi %add3A_433, %add3A_434 : i32
          %add3A_436 = vector.broadcast %add3A_435 : i32 to vector<16xi32>
          %add3A_437 = arith.addi %add3A_436, %iota3A : vector<16xi32>
          %sub3A_438 = vector.broadcast %squeeze3A_62 : i32 to vector<16xi32>
          %sub3A_439 = arith.subi %add3A_437, %sub3A_438 : vector<16xi32>
          %mul3A_440 = arith.muli %sub3A_439, %sub3A_439 : vector<16xi32>
          %add3A_441 = vector.broadcast %mul3A_320 : i32 to vector<16xi32>
          %add3A_442 = arith.addi %mul3A_440, %add3A_441 : vector<16xi32>
          %le3A_443 = arith.constant 1600 : i32
          %le3A_444 = vector.broadcast %le3A_443 : i32 to vector<16xi32>
          %le3A_445 = arith.cmpi sle, %add3A_442, %le3A_444 : vector<16xi32>
          %add3A_446 = arith.constant 32 : i32
          %add3A_447 = arith.addi %mul3A_189, %add3A_446 : i32
          %get3A_448 = arith.index_cast %scan3A_313 : i32 to index
          %get3A_449 = arith.index_cast %add3A_447 : i32 to index
          %get3A_450 = tpu.vector_load %arg5[%get3A_448, %get3A_449] {strides = array<i32>} : memref<88x256xf32, #tpu.memory_space<vmem>>, vector<16xf32>,
          %jit3A_451 = arith.constant 0.000000e+00 : f32
          %broadcast_in_dim3A_452 = vector.broadcast %jit3A_451 : f32 to vector<16xf32>
          %select_n3A_453 = arith.select %le3A_445, %get3A_450, %broadcast_in_dim3A_452 : vector<16xi1>, vector<16xf32>
          %add3A_454 = arith.addf %add3A_399, %select_n3A_453 : vector<16xf32>
          %jit3A_455 = arith.constant 1.000000e+00 : f32
          %jit3A_456 = arith.constant 0.000000e+00 : f32
          %broadcast_in_dim3A_457 = vector.broadcast %jit3A_455 : f32 to vector<16xf32>
          %broadcast_in_dim3A_458 = vector.broadcast %jit3A_456 : f32 to vector<16xf32>
          %select_n3A_459 = arith.select %le3A_445, %broadcast_in_dim3A_457, %broadcast_in_dim3A_458 : vector<16xi1>, vector<16xf32>
          %add3A_460 = arith.addf %add3A_405, %select_n3A_459 : vector<16xf32>
          %add3A_461 = arith.constant 32 : i32
          %add3A_462 = arith.addi %mul3A_189, %add3A_461 : i32
          %get3A_463 = arith.index_cast %scan3A_313 : i32 to index
          %get3A_464 = arith.index_cast %add3A_462 : i32 to index
          %get3A_465 = tpu.vector_load %arg6[%get3A_463, %get3A_464] {strides = array<i32>} : memref<88x256xf32, #tpu.memory_space<vmem>>, vector<16xf32>,
          %sub3A_466 = vector.broadcast %mul3A_324 : f32 to vector<16xf32>
          %sub3A_467 = arith.subf %get3A_465, %sub3A_466 : vector<16xf32>
          %abs3A_468 = math.absf %sub3A_467 : vector<16xf32>
          %jit3A_469 = arith.constant 0.000000e+00 : f32
          %broadcast_in_dim3A_470 = vector.broadcast %jit3A_469 : f32 to vector<16xf32>
          %select_n3A_471 = arith.select %le3A_445, %abs3A_468, %broadcast_in_dim3A_470 : vector<16xi1>, vector<16xf32>
          %add3A_472 = arith.addf %add3A_417, %select_n3A_471 : vector<16xf32>
          %add3A_473 = arith.constant 32 : i32
          %add3A_474 = arith.addi %mul3A_189, %add3A_473 : i32
          %get3A_475 = arith.index_cast %scan3A_313 : i32 to index
          %get3A_476 = arith.index_cast %add3A_474 : i32 to index
          %get3A_477 = tpu.vector_load %arg7[%get3A_475, %get3A_476] {strides = array<i32>} : memref<88x256xf32, #tpu.memory_space<vmem>>, vector<16xf32>,
          %convert_element_type3A_478 = arith.sitofp %sub3A_439 : vector<16xi32> to vector<16xf32>
          %mul3A_479 = arith.constant -2.500000e-02 : f32
          %mul3A_480 = vector.broadcast %mul3A_479 : f32 to vector<16xf32>
          %mul3A_481 = arith.mulf %convert_element_type3A_478, %mul3A_480 : vector<16xf32>
          %sub3A_482 = arith.subf %get3A_477, %mul3A_481 : vector<16xf32>
          %abs3A_483 = math.absf %sub3A_482 : vector<16xf32>
          %jit3A_484 = arith.constant 0.000000e+00 : f32
          %broadcast_in_dim3A_485 = vector.broadcast %jit3A_484 : f32 to vector<16xf32>
          %select_n3A_486 = arith.select %le3A_445, %abs3A_483, %broadcast_in_dim3A_485 : vector<16xi1>, vector<16xf32>
          %add3A_487 = arith.addf %add3A_432, %select_n3A_486 : vector<16xf32>
          %add3A_488 = arith.addi %multiple_of3A_125, %mul3A_189 : i32
          %add3A_489 = arith.constant 48 : i32
          %add3A_490 = arith.addi %add3A_488, %add3A_489 : i32
          %add3A_491 = vector.broadcast %add3A_490 : i32 to vector<16xi32>
          %add3A_492 = arith.addi %add3A_491, %iota3A : vector<16xi32>
          %sub3A_493 = vector.broadcast %squeeze3A_62 : i32 to vector<16xi32>
          %sub3A_494 = arith.subi %add3A_492, %sub3A_493 : vector<16xi32>
          %mul3A_495 = arith.muli %sub3A_494, %sub3A_494 : vector<16xi32>
          %add3A_496 = vector.broadcast %mul3A_320 : i32 to vector<16xi32>
          %add3A_497 = arith.addi %mul3A_495, %add3A_496 : vector<16xi32>
          %le3A_498 = arith.constant 1600 : i32
          %le3A_499 = vector.broadcast %le3A_498 : i32 to vector<16xi32>
          %le3A_500 = arith.cmpi sle, %add3A_497, %le3A_499 : vector<16xi32>
          %add3A_501 = arith.constant 48 : i32
          %add3A_502 = arith.addi %mul3A_189, %add3A_501 : i32
          %get3A_503 = arith.index_cast %scan3A_313 : i32 to index
          %get3A_504 = arith.index_cast %add3A_502 : i32 to index
          %get3A_505 = tpu.vector_load %arg5[%get3A_503, %get3A_504] {strides = array<i32>} : memref<88x256xf32, #tpu.memory_space<vmem>>, vector<16xf32>,
          %jit3A_506 = arith.constant 0.000000e+00 : f32
          %broadcast_in_dim3A_507 = vector.broadcast %jit3A_506 : f32 to vector<16xf32>
          %select_n3A_508 = arith.select %le3A_500, %get3A_505, %broadcast_in_dim3A_507 : vector<16xi1>, vector<16xf32>
          %add3A_509 = arith.addf %add3A_454, %select_n3A_508 : vector<16xf32>
          %jit3A_510 = arith.constant 1.000000e+00 : f32
          %jit3A_511 = arith.constant 0.000000e+00 : f32
          %broadcast_in_dim3A_512 = vector.broadcast %jit3A_510 : f32 to vector<16xf32>
          %broadcast_in_dim3A_513 = vector.broadcast %jit3A_511 : f32 to vector<16xf32>
          %select_n3A_514 = arith.select %le3A_500, %broadcast_in_dim3A_512, %broadcast_in_dim3A_513 : vector<16xi1>, vector<16xf32>
          %add3A_515 = arith.addf %add3A_460, %select_n3A_514 : vector<16xf32>
          %add3A_516 = arith.constant 48 : i32
          %add3A_517 = arith.addi %mul3A_189, %add3A_516 : i32
          %get3A_518 = arith.index_cast %scan3A_313 : i32 to index
          %get3A_519 = arith.index_cast %add3A_517 : i32 to index
          %get3A_520 = tpu.vector_load %arg6[%get3A_518, %get3A_519] {strides = array<i32>} : memref<88x256xf32, #tpu.memory_space<vmem>>, vector<16xf32>,
          %sub3A_521 = vector.broadcast %mul3A_324 : f32 to vector<16xf32>
          %sub3A_522 = arith.subf %get3A_520, %sub3A_521 : vector<16xf32>
          %abs3A_523 = math.absf %sub3A_522 : vector<16xf32>
          %jit3A_524 = arith.constant 0.000000e+00 : f32
          %broadcast_in_dim3A_525 = vector.broadcast %jit3A_524 : f32 to vector<16xf32>
          %select_n3A_526 = arith.select %le3A_500, %abs3A_523, %broadcast_in_dim3A_525 : vector<16xi1>, vector<16xf32>
          %add3A_527 = arith.addf %add3A_472, %select_n3A_526 : vector<16xf32>
          %add3A_528 = arith.constant 48 : i32
          %add3A_529 = arith.addi %mul3A_189, %add3A_528 : i32
          %get3A_530 = arith.index_cast %scan3A_313 : i32 to index
          %get3A_531 = arith.index_cast %add3A_529 : i32 to index
          %get3A_532 = tpu.vector_load %arg7[%get3A_530, %get3A_531] {strides = array<i32>} : memref<88x256xf32, #tpu.memory_space<vmem>>, vector<16xf32>,
          %convert_element_type3A_533 = arith.sitofp %sub3A_494 : vector<16xi32> to vector<16xf32>
          %mul3A_534 = arith.constant -2.500000e-02 : f32
          %mul3A_535 = vector.broadcast %mul3A_534 : f32 to vector<16xf32>
          %mul3A_536 = arith.mulf %convert_element_type3A_533, %mul3A_535 : vector<16xf32>
          %sub3A_537 = arith.subf %get3A_532, %mul3A_536 : vector<16xf32>
          %abs3A_538 = math.absf %sub3A_537 : vector<16xf32>
          %jit3A_539 = arith.constant 0.000000e+00 : f32
          %broadcast_in_dim3A_540 = vector.broadcast %jit3A_539 : f32 to vector<16xf32>
          %select_n3A_541 = arith.select %le3A_500, %abs3A_538, %broadcast_in_dim3A_540 : vector<16xi1>, vector<16xf32>
          %add3A_542 = arith.addf %add3A_487, %select_n3A_541 : vector<16xf32>
          %add3A_543 = arith.addi %multiple_of3A_125, %mul3A_189 : i32
          %add3A_544 = arith.constant 64 : i32
          %add3A_545 = arith.addi %add3A_543, %add3A_544 : i32
          %add3A_546 = vector.broadcast %add3A_545 : i32 to vector<16xi32>
          %add3A_547 = arith.addi %add3A_546, %iota3A : vector<16xi32>
          %sub3A_548 = vector.broadcast %squeeze3A_62 : i32 to vector<16xi32>
          %sub3A_549 = arith.subi %add3A_547, %sub3A_548 : vector<16xi32>
          %mul3A_550 = arith.muli %sub3A_549, %sub3A_549 : vector<16xi32>
          %add3A_551 = vector.broadcast %mul3A_320 : i32 to vector<16xi32>
          %add3A_552 = arith.addi %mul3A_550, %add3A_551 : vector<16xi32>
          %le3A_553 = arith.constant 1600 : i32
          %le3A_554 = vector.broadcast %le3A_553 : i32 to vector<16xi32>
          %le3A_555 = arith.cmpi sle, %add3A_552, %le3A_554 : vector<16xi32>
          %add3A_556 = arith.constant 64 : i32
          %add3A_557 = arith.addi %mul3A_189, %add3A_556 : i32
          %get3A_558 = arith.index_cast %scan3A_313 : i32 to index
          %get3A_559 = arith.index_cast %add3A_557 : i32 to index
          %get3A_560 = tpu.vector_load %arg5[%get3A_558, %get3A_559] {strides = array<i32>} : memref<88x256xf32, #tpu.memory_space<vmem>>, vector<16xf32>,
          %jit3A_561 = arith.constant 0.000000e+00 : f32
          %broadcast_in_dim3A_562 = vector.broadcast %jit3A_561 : f32 to vector<16xf32>
          %select_n3A_563 = arith.select %le3A_555, %get3A_560, %broadcast_in_dim3A_562 : vector<16xi1>, vector<16xf32>
          %add3A_564 = arith.addf %add3A_509, %select_n3A_563 : vector<16xf32>
          %jit3A_565 = arith.constant 1.000000e+00 : f32
          %jit3A_566 = arith.constant 0.000000e+00 : f32
          %broadcast_in_dim3A_567 = vector.broadcast %jit3A_565 : f32 to vector<16xf32>
          %broadcast_in_dim3A_568 = vector.broadcast %jit3A_566 : f32 to vector<16xf32>
          %select_n3A_569 = arith.select %le3A_555, %broadcast_in_dim3A_567, %broadcast_in_dim3A_568 : vector<16xi1>, vector<16xf32>
          %add3A_570 = arith.addf %add3A_515, %select_n3A_569 : vector<16xf32>
          %add3A_571 = arith.constant 64 : i32
          %add3A_572 = arith.addi %mul3A_189, %add3A_571 : i32
          %get3A_573 = arith.index_cast %scan3A_313 : i32 to index
          %get3A_574 = arith.index_cast %add3A_572 : i32 to index
          %get3A_575 = tpu.vector_load %arg6[%get3A_573, %get3A_574] {strides = array<i32>} : memref<88x256xf32, #tpu.memory_space<vmem>>, vector<16xf32>,
          %sub3A_576 = vector.broadcast %mul3A_324 : f32 to vector<16xf32>
          %sub3A_577 = arith.subf %get3A_575, %sub3A_576 : vector<16xf32>
          %abs3A_578 = math.absf %sub3A_577 : vector<16xf32>
          %jit3A_579 = arith.constant 0.000000e+00 : f32
          %broadcast_in_dim3A_580 = vector.broadcast %jit3A_579 : f32 to vector<16xf32>
          %select_n3A_581 = arith.select %le3A_555, %abs3A_578, %broadcast_in_dim3A_580 : vector<16xi1>, vector<16xf32>
          %add3A_582 = arith.addf %add3A_527, %select_n3A_581 : vector<16xf32>
          %add3A_583 = arith.constant 64 : i32
          %add3A_584 = arith.addi %mul3A_189, %add3A_583 : i32
          %get3A_585 = arith.index_cast %scan3A_313 : i32 to index
          %get3A_586 = arith.index_cast %add3A_584 : i32 to index
          %get3A_587 = tpu.vector_load %arg7[%get3A_585, %get3A_586] {strides = array<i32>} : memref<88x256xf32, #tpu.memory_space<vmem>>, vector<16xf32>,
          %convert_element_type3A_588 = arith.sitofp %sub3A_549 : vector<16xi32> to vector<16xf32>
          %mul3A_589 = arith.constant -2.500000e-02 : f32
          %mul3A_590 = vector.broadcast %mul3A_589 : f32 to vector<16xf32>
          %mul3A_591 = arith.mulf %convert_element_type3A_588, %mul3A_590 : vector<16xf32>
          %sub3A_592 = arith.subf %get3A_587, %mul3A_591 : vector<16xf32>
          %abs3A_593 = math.absf %sub3A_592 : vector<16xf32>
          %jit3A_594 = arith.constant 0.000000e+00 : f32
          %broadcast_in_dim3A_595 = vector.broadcast %jit3A_594 : f32 to vector<16xf32>
          %select_n3A_596 = arith.select %le3A_555, %abs3A_593, %broadcast_in_dim3A_595 : vector<16xi1>, vector<16xf32>
          %add3A_597 = arith.addf %add3A_542, %select_n3A_596 : vector<16xf32>
          %add3A_598 = arith.addi %multiple_of3A_125, %mul3A_189 : i32
          %add3A_599 = arith.constant 80 : i32
          %add3A_600 = arith.addi %add3A_598, %add3A_599 : i32
          %add3A_601 = vector.broadcast %add3A_600 : i32 to vector<16xi32>
          %add3A_602 = arith.addi %add3A_601, %iota3A : vector<16xi32>
          %sub3A_603 = vector.broadcast %squeeze3A_62 : i32 to vector<16xi32>
          %sub3A_604 = arith.subi %add3A_602, %sub3A_603 : vector<16xi32>
          %mul3A_605 = arith.muli %sub3A_604, %sub3A_604 : vector<16xi32>
          %add3A_606 = vector.broadcast %mul3A_320 : i32 to vector<16xi32>
          %add3A_607 = arith.addi %mul3A_605, %add3A_606 : vector<16xi32>
          %le3A_608 = arith.constant 1600 : i32
          %le3A_609 = vector.broadcast %le3A_608 : i32 to vector<16xi32>
          %le3A_610 = arith.cmpi sle, %add3A_607, %le3A_609 : vector<16xi32>
          %add3A_611 = arith.constant 80 : i32
          %add3A_612 = arith.addi %mul3A_189, %add3A_611 : i32
          %get3A_613 = arith.index_cast %scan3A_313 : i32 to index
          %get3A_614 = arith.index_cast %add3A_612 : i32 to index
          %get3A_615 = tpu.vector_load %arg5[%get3A_613, %get3A_614] {strides = array<i32>} : memref<88x256xf32, #tpu.memory_space<vmem>>, vector<16xf32>,
          %jit3A_616 = arith.constant 0.000000e+00 : f32
          %broadcast_in_dim3A_617 = vector.broadcast %jit3A_616 : f32 to vector<16xf32>
          %select_n3A_618 = arith.select %le3A_610, %get3A_615, %broadcast_in_dim3A_617 : vector<16xi1>, vector<16xf32>
          %add3A_619 = arith.addf %add3A_564, %select_n3A_618 : vector<16xf32>
          %jit3A_620 = arith.constant 1.000000e+00 : f32
          %jit3A_621 = arith.constant 0.000000e+00 : f32
          %broadcast_in_dim3A_622 = vector.broadcast %jit3A_620 : f32 to vector<16xf32>
          %broadcast_in_dim3A_623 = vector.broadcast %jit3A_621 : f32 to vector<16xf32>
          %select_n3A_624 = arith.select %le3A_610, %broadcast_in_dim3A_622, %broadcast_in_dim3A_623 : vector<16xi1>, vector<16xf32>
          %add3A_625 = arith.addf %add3A_570, %select_n3A_624 : vector<16xf32>
          %add3A_626 = arith.constant 80 : i32
          %add3A_627 = arith.addi %mul3A_189, %add3A_626 : i32
          %get3A_628 = arith.index_cast %scan3A_313 : i32 to index
          %get3A_629 = arith.index_cast %add3A_627 : i32 to index
          %get3A_630 = tpu.vector_load %arg6[%get3A_628, %get3A_629] {strides = array<i32>} : memref<88x256xf32, #tpu.memory_space<vmem>>, vector<16xf32>,
          %sub3A_631 = vector.broadcast %mul3A_324 : f32 to vector<16xf32>
          %sub3A_632 = arith.subf %get3A_630, %sub3A_631 : vector<16xf32>
          %abs3A_633 = math.absf %sub3A_632 : vector<16xf32>
          %jit3A_634 = arith.constant 0.000000e+00 : f32
          %broadcast_in_dim3A_635 = vector.broadcast %jit3A_634 : f32 to vector<16xf32>
          %select_n3A_636 = arith.select %le3A_610, %abs3A_633, %broadcast_in_dim3A_635 : vector<16xi1>, vector<16xf32>
          %add3A_637 = arith.addf %add3A_582, %select_n3A_636 : vector<16xf32>
          %add3A_638 = arith.constant 80 : i32
          %add3A_639 = arith.addi %mul3A_189, %add3A_638 : i32
          %get3A_640 = arith.index_cast %scan3A_313 : i32 to index
          %get3A_641 = arith.index_cast %add3A_639 : i32 to index
          %get3A_642 = tpu.vector_load %arg7[%get3A_640, %get3A_641] {strides = array<i32>} : memref<88x256xf32, #tpu.memory_space<vmem>>, vector<16xf32>,
          %convert_element_type3A_643 = arith.sitofp %sub3A_604 : vector<16xi32> to vector<16xf32>
          %mul3A_644 = arith.constant -2.500000e-02 : f32
          %mul3A_645 = vector.broadcast %mul3A_644 : f32 to vector<16xf32>
          %mul3A_646 = arith.mulf %convert_element_type3A_643, %mul3A_645 : vector<16xf32>
          %sub3A_647 = arith.subf %get3A_642, %mul3A_646 : vector<16xf32>
          %abs3A_648 = math.absf %sub3A_647 : vector<16xf32>
          %jit3A_649 = arith.constant 0.000000e+00 : f32
          %broadcast_in_dim3A_650 = vector.broadcast %jit3A_649 : f32 to vector<16xf32>
          %select_n3A_651 = arith.select %le3A_610, %abs3A_648, %broadcast_in_dim3A_650 : vector<16xi1>, vector<16xf32>
          %add3A_652 = arith.addf %add3A_597, %select_n3A_651 : vector<16xf32>
          scf.yield %add3A_619, %add3A_625, %add3A_637, %add3A_652 : vector<16xf32>, vector<16xf32>, vector<16xf32>, vector<16xf32>
        }
        %scan3A_262 = arith.constant 88 : i32
        %reduce_sum3A = arith.constant true
        %reduce_sum3A_263 = vector.broadcast %reduce_sum3A : i1 to vector<16xi1>
        %reduce_sum3A_264 = tpu.scan <sum>, %scan3A_261#0 masked %reduce_sum3A_263 : vector<16xf32>, vector<16xi1> -> vector<16xf32>
        %reduce_sum3A_265 = vector.extract %reduce_sum3A_264[15] : f32 from vector<16xf32>
        %broadcast_in_dim3A_266 = vector.broadcast %reduce_sum3A_265 : f32 to vector<16xf32>
        %swap3A = arith.constant 0 : i32
        %swap3A_267 = arith.index_cast %swap3A : i32 to index
        %swap3A_268 = arith.constant 0 : index
        %swap3A_269 = tpu.vector_load %arg8[%swap3A_267, %swap3A_268] {strides = array<i32>} : memref<4x16xf32, #tpu.memory_space<vmem>>, vector<16xf32>,
        tpu.vector_store %arg8[%swap3A_267, %swap3A_268], %broadcast_in_dim3A_266 {strides = array<i32>} : memref<4x16xf32, #tpu.memory_space<vmem>>, vector<16xf32>,
        %reduce_sum3A_270 = arith.constant true
        %reduce_sum3A_271 = vector.broadcast %reduce_sum3A_270 : i1 to vector<16xi1>
        %reduce_sum3A_272 = tpu.scan <sum>, %scan3A_261#1 masked %reduce_sum3A_271 : vector<16xf32>, vector<16xi1> -> vector<16xf32>
        %reduce_sum3A_273 = vector.extract %reduce_sum3A_272[15] : f32 from vector<16xf32>
        %broadcast_in_dim3A_274 = vector.broadcast %reduce_sum3A_273 : f32 to vector<16xf32>
        %swap3A_275 = arith.constant 1 : i32
        %swap3A_276 = arith.index_cast %swap3A_275 : i32 to index
        %swap3A_277 = arith.constant 0 : index
        %swap3A_278 = tpu.vector_load %arg8[%swap3A_276, %swap3A_277] {strides = array<i32>} : memref<4x16xf32, #tpu.memory_space<vmem>>, vector<16xf32>,
        tpu.vector_store %arg8[%swap3A_276, %swap3A_277], %broadcast_in_dim3A_274 {strides = array<i32>} : memref<4x16xf32, #tpu.memory_space<vmem>>, vector<16xf32>,
        %reduce_sum3A_279 = arith.constant true
        %reduce_sum3A_280 = vector.broadcast %reduce_sum3A_279 : i1 to vector<16xi1>
        %reduce_sum3A_281 = tpu.scan <sum>, %scan3A_261#2 masked %reduce_sum3A_280 : vector<16xf32>, vector<16xi1> -> vector<16xf32>
        %reduce_sum3A_282 = vector.extract %reduce_sum3A_281[15] : f32 from vector<16xf32>
        %broadcast_in_dim3A_283 = vector.broadcast %reduce_sum3A_282 : f32 to vector<16xf32>
        %swap3A_284 = arith.constant 2 : i32
        %swap3A_285 = arith.index_cast %swap3A_284 : i32 to index
        %swap3A_286 = arith.constant 0 : index
        %swap3A_287 = tpu.vector_load %arg8[%swap3A_285, %swap3A_286] {strides = array<i32>} : memref<4x16xf32, #tpu.memory_space<vmem>>, vector<16xf32>,
        tpu.vector_store %arg8[%swap3A_285, %swap3A_286], %broadcast_in_dim3A_283 {strides = array<i32>} : memref<4x16xf32, #tpu.memory_space<vmem>>, vector<16xf32>,
        %reduce_sum3A_288 = arith.constant true
        %reduce_sum3A_289 = vector.broadcast %reduce_sum3A_288 : i1 to vector<16xi1>
        %reduce_sum3A_290 = tpu.scan <sum>, %scan3A_261#3 masked %reduce_sum3A_289 : vector<16xf32>, vector<16xi1> -> vector<16xf32>
        %reduce_sum3A_291 = vector.extract %reduce_sum3A_290[15] : f32 from vector<16xf32>
        %broadcast_in_dim3A_292 = vector.broadcast %reduce_sum3A_291 : f32 to vector<16xf32>
        %swap3A_293 = arith.constant 3 : i32
        %swap3A_294 = arith.index_cast %swap3A_293 : i32 to index
        %swap3A_295 = arith.constant 0 : index
        %swap3A_296 = tpu.vector_load %arg8[%swap3A_294, %swap3A_295] {strides = array<i32>} : memref<4x16xf32, #tpu.memory_space<vmem>>, vector<16xf32>,
        tpu.vector_store %arg8[%swap3A_294, %swap3A_295], %broadcast_in_dim3A_292 {strides = array<i32>} : memref<4x16xf32, #tpu.memory_space<vmem>>, vector<16xf32>,
        %dma_start3A_297 = arith.constant 0 : i32
        %dma_start3A_298 = arith.constant 0 : i32
        %dma_start3A_299 = tpu.memref_slice %arg4[%add3A_18, %dma_start3A_297, %dma_start3A_298] : memref<76x4x16xf32, #tpu.memory_space<hbm>> -> memref<1x4x16xf32, #tpu.memory_space<hbm>>
        %dma_start3A_300 = tpu.memref_squeeze %dma_start3A_299 : memref<1x4x16xf32, #tpu.memory_space<hbm>> -> memref<4x16xf32, #tpu.memory_space<hbm>>
        %dma_start3A_301 = arith.constant 0 : i32
        %dma_start3A_302 = arith.constant 0 : i32
        %dma_start3A_303 = tpu.memref_slice %arg4[%add3A_18, %dma_start3A_301, %dma_start3A_302] : memref<76x4x16xf32, #tpu.memory_space<hbm>> -> memref<1x4x16xf32, #tpu.memory_space<hbm>>
        %dma_start3A_304 = tpu.memref_squeeze %dma_start3A_303 : memref<1x4x16xf32, #tpu.memory_space<hbm>> -> memref<4x16xf32, #tpu.memory_space<hbm>>
        tpu.enqueue_dma source(%arg8 : memref<4x16xf32, #tpu.memory_space<vmem>>) target(%dma_start3A_304 : memref<4x16xf32, #tpu.memory_space<hbm>>) target_semaphore(%arg16 : memref<!tpu.dma_semaphore, #tpu.memory_space<semaphore_mem>>)
        %dma_wait3A_305 = arith.constant 0 : i32
        %dma_wait3A_306 = arith.constant 0 : i32
        %dma_wait3A_307 = tpu.memref_slice %arg4[%add3A_18, %dma_wait3A_305, %dma_wait3A_306] : memref<76x4x16xf32, #tpu.memory_space<hbm>> -> memref<1x4x16xf32, #tpu.memory_space<hbm>>
        %dma_wait3A_308 = tpu.memref_squeeze %dma_wait3A_307 : memref<1x4x16xf32, #tpu.memory_space<hbm>> -> memref<4x16xf32, #tpu.memory_space<hbm>>
        %dma_wait3A_309 = arith.constant 0 : i32
        %dma_wait3A_310 = arith.constant 0 : i32
        %dma_wait3A_311 = tpu.memref_slice %arg4[%add3A_18, %dma_wait3A_309, %dma_wait3A_310] : memref<76x4x16xf32, #tpu.memory_space<hbm>> -> memref<1x4x16xf32, #tpu.memory_space<hbm>>
        %dma_wait3A_312 = tpu.memref_squeeze %dma_wait3A_311 : memref<1x4x16xf32, #tpu.memory_space<hbm>> -> memref<4x16xf32, #tpu.memory_space<hbm>>
        tpu.wait_dma2 semaphore(%arg16 : memref<!tpu.dma_semaphore, #tpu.memory_space<semaphore_mem>>) src(%arg8 : memref<4x16xf32, #tpu.memory_space<vmem>>) dst(%dma_wait3A_312 : memref<4x16xf32, #tpu.memory_space<hbm>>)
      } else {
      }
    }
    %scan3A_10 = arith.constant 3 : i32
    return
  }
}

module attributes {stable_mosaic.version = 14 : i64} {
  func.func @_dense_body(%arg0: i32, %arg1: i32, %arg2: memref<1x19x32x512xf32, #tpu.memory_space<vmem>>, %arg3: memref<1x1xf32, #tpu.memory_space<smem>>, %arg4: memref<8x512xf32, #tpu.memory_space<vmem>>) attributes {dimension_semantics = [#tpu.dimension_semantics<arbitrary>, #tpu.dimension_semantics<arbitrary>], iteration_bounds = array<i64: 4, 16>, scalar_prefetch = 0 : i64, scratch_operands = 1 : i64, tpu.core_type = #tpu.core_type<tc>, window_params = [{transform_indices = @transform_0, window_bounds = array<i64: 1, 19, 32, 512>}, {transform_indices = @transform_1, window_bounds = array<i64: 1, 1>}]} {
    %eq3A = arith.constant 0 : i32
    %eq3A_0 = arith.cmpi eq, %arg0, %eq3A : i32
    %eq3A_1 = arith.constant 0 : i32
    %eq3A_2 = arith.cmpi eq, %arg1, %eq3A_1 : i32
    %and3A = arith.andi %eq3A_0, %eq3A_2 : i1
    %convert_element_type3A = arith.extui %and3A : i1 to i32
    %cond3A = arith.constant 0 : i32
    %cond3A_3 = arith.cmpi ne, %convert_element_type3A, %cond3A : i32
    scf.if %cond3A_3 {
      %broadcast_in_dim3A = arith.constant 0.000000e+00 : f32
      %broadcast_in_dim3A_958 = vector.broadcast %broadcast_in_dim3A : f32 to vector<8x512xf32>
      %swap3A_959 = arith.constant 0 : index
      %swap3A_960 = arith.constant 0 : index
      %swap3A_961 = vector.load %arg4[%swap3A_959, %swap3A_960] : memref<8x512xf32, #tpu.memory_space<vmem>>, vector<8x512xf32>
      tpu.vector_store %arg4[%swap3A_959, %swap3A_960], %broadcast_in_dim3A_958 {strides = array<i32>} : memref<8x512xf32, #tpu.memory_space<vmem>>, vector<8x512xf32>,
    } else {
    }
    %get3A = arith.constant 0 : index
    %get3A_4 = arith.constant 0 : index
    %get3A_5 = vector.load %arg4[%get3A, %get3A_4] : memref<8x512xf32, #tpu.memory_space<vmem>>, vector<8x512xf32>
    %get3A_6 = arith.constant 0 : index
    %get3A_7 = arith.constant 0 : index
    %get3A_8 = arith.constant 0 : index
    %get3A_9 = arith.constant 0 : index
    %get3A_10 = vector.load %arg2[%get3A_6, %get3A_7, %get3A_8, %get3A_9] : memref<1x19x32x512xf32, #tpu.memory_space<vmem>>, vector<1x1x32x512xf32>
    %get3A_11 = vector.shape_cast %get3A_10 : vector<1x1x32x512xf32> to vector<32x512xf32>
    %abs3A = math.absf %get3A_11 : vector<32x512xf32>
    %mul3A = arith.constant -1.44269502 : f32
    %mul3A_12 = vector.broadcast %mul3A : f32 to vector<32x512xf32>
    %mul3A_13 = arith.mulf %abs3A, %mul3A_12 : vector<32x512xf32>
    %exp23A = math.exp2 %mul3A_13 : vector<32x512xf32>
    %add3A = arith.constant 1.000000e+00 : f32
    %add3A_14 = vector.broadcast %add3A : f32 to vector<32x512xf32>
    %add3A_15 = arith.addf %add3A_14, %exp23A : vector<32x512xf32>
    %slice3A = vector.extract_strided_slice %add3A_15 {offsets = [0, 0], sizes = [8, 512], strides = [1, 1]} : vector<32x512xf32> to vector<8x512xf32>
    %slice3A_16 = vector.extract_strided_slice %add3A_15 {offsets = [8, 0], sizes = [8, 512], strides = [1, 1]} : vector<32x512xf32> to vector<8x512xf32>
    %mul3A_17 = arith.mulf %slice3A, %slice3A_16 : vector<8x512xf32>
    %slice3A_18 = vector.extract_strided_slice %add3A_15 {offsets = [16, 0], sizes = [8, 512], strides = [1, 1]} : vector<32x512xf32> to vector<8x512xf32>
    %slice3A_19 = vector.extract_strided_slice %add3A_15 {offsets = [24, 0], sizes = [8, 512], strides = [1, 1]} : vector<32x512xf32> to vector<8x512xf32>
    %mul3A_20 = arith.mulf %slice3A_18, %slice3A_19 : vector<8x512xf32>
    %mul3A_21 = arith.mulf %mul3A_17, %mul3A_20 : vector<8x512xf32>
    %slice3A_22 = vector.extract_strided_slice %get3A_11 {offsets = [0, 0], sizes = [8, 512], strides = [1, 1]} : vector<32x512xf32> to vector<8x512xf32>
    %max3A = arith.constant 0.000000e+00 : f32
    %max3A_23 = vector.broadcast %max3A : f32 to vector<8x512xf32>
    %max3A_24 = arith.maximumf %slice3A_22, %max3A_23 : vector<8x512xf32>
    %slice3A_25 = vector.extract_strided_slice %get3A_11 {offsets = [8, 0], sizes = [8, 512], strides = [1, 1]} : vector<32x512xf32> to vector<8x512xf32>
    %max3A_26 = arith.constant 0.000000e+00 : f32
    %max3A_27 = vector.broadcast %max3A_26 : f32 to vector<8x512xf32>
    %max3A_28 = arith.maximumf %slice3A_25, %max3A_27 : vector<8x512xf32>
    %add3A_29 = arith.addf %max3A_24, %max3A_28 : vector<8x512xf32>
    %slice3A_30 = vector.extract_strided_slice %get3A_11 {offsets = [16, 0], sizes = [8, 512], strides = [1, 1]} : vector<32x512xf32> to vector<8x512xf32>
    %max3A_31 = arith.constant 0.000000e+00 : f32
    %max3A_32 = vector.broadcast %max3A_31 : f32 to vector<8x512xf32>
    %max3A_33 = arith.maximumf %slice3A_30, %max3A_32 : vector<8x512xf32>
    %slice3A_34 = vector.extract_strided_slice %get3A_11 {offsets = [24, 0], sizes = [8, 512], strides = [1, 1]} : vector<32x512xf32> to vector<8x512xf32>
    %max3A_35 = arith.constant 0.000000e+00 : f32
    %max3A_36 = vector.broadcast %max3A_35 : f32 to vector<8x512xf32>
    %max3A_37 = arith.maximumf %slice3A_34, %max3A_36 : vector<8x512xf32>
    %add3A_38 = arith.addf %max3A_33, %max3A_37 : vector<8x512xf32>
    %add3A_39 = arith.addf %add3A_29, %add3A_38 : vector<8x512xf32>
    %log3A = math.log %mul3A_21 : vector<8x512xf32>
    %log3A_40 = arith.constant 2.000000e+00 : f32
    %log3A_41 = math.log %log3A_40 : f32
    %div3A = vector.broadcast %log3A_41 : f32 to vector<8x512xf32>
    %div3A_42 = arith.divf %log3A, %div3A : vector<8x512xf32>
    %mul3A_43 = arith.constant 0.693147182 : f32
    %mul3A_44 = vector.broadcast %mul3A_43 : f32 to vector<8x512xf32>
    %mul3A_45 = arith.mulf %div3A_42, %mul3A_44 : vector<8x512xf32>
    %add3A_46 = arith.addf %add3A_39, %mul3A_45 : vector<8x512xf32>
    %add3A_47 = arith.addf %get3A_5, %add3A_46 : vector<8x512xf32>
    %get3A_48 = arith.constant 0 : index
    %get3A_49 = arith.constant 1 : index
    %get3A_50 = arith.constant 0 : index
    %get3A_51 = arith.constant 0 : index
    %get3A_52 = vector.load %arg2[%get3A_48, %get3A_49, %get3A_50, %get3A_51] : memref<1x19x32x512xf32, #tpu.memory_space<vmem>>, vector<1x1x32x512xf32>
    %get3A_53 = vector.shape_cast %get3A_52 : vector<1x1x32x512xf32> to vector<32x512xf32>
    %abs3A_54 = math.absf %get3A_53 : vector<32x512xf32>
    %mul3A_55 = arith.constant -1.44269502 : f32
    %mul3A_56 = vector.broadcast %mul3A_55 : f32 to vector<32x512xf32>
    %mul3A_57 = arith.mulf %abs3A_54, %mul3A_56 : vector<32x512xf32>
    %exp23A_58 = math.exp2 %mul3A_57 : vector<32x512xf32>
    %add3A_59 = arith.constant 1.000000e+00 : f32
    %add3A_60 = vector.broadcast %add3A_59 : f32 to vector<32x512xf32>
    %add3A_61 = arith.addf %add3A_60, %exp23A_58 : vector<32x512xf32>
    %slice3A_62 = vector.extract_strided_slice %add3A_61 {offsets = [0, 0], sizes = [8, 512], strides = [1, 1]} : vector<32x512xf32> to vector<8x512xf32>
    %slice3A_63 = vector.extract_strided_slice %add3A_61 {offsets = [8, 0], sizes = [8, 512], strides = [1, 1]} : vector<32x512xf32> to vector<8x512xf32>
    %mul3A_64 = arith.mulf %slice3A_62, %slice3A_63 : vector<8x512xf32>
    %slice3A_65 = vector.extract_strided_slice %add3A_61 {offsets = [16, 0], sizes = [8, 512], strides = [1, 1]} : vector<32x512xf32> to vector<8x512xf32>
    %slice3A_66 = vector.extract_strided_slice %add3A_61 {offsets = [24, 0], sizes = [8, 512], strides = [1, 1]} : vector<32x512xf32> to vector<8x512xf32>
    %mul3A_67 = arith.mulf %slice3A_65, %slice3A_66 : vector<8x512xf32>
    %mul3A_68 = arith.mulf %mul3A_64, %mul3A_67 : vector<8x512xf32>
    %slice3A_69 = vector.extract_strided_slice %get3A_53 {offsets = [0, 0], sizes = [8, 512], strides = [1, 1]} : vector<32x512xf32> to vector<8x512xf32>
    %max3A_70 = arith.constant 0.000000e+00 : f32
    %max3A_71 = vector.broadcast %max3A_70 : f32 to vector<8x512xf32>
    %max3A_72 = arith.maximumf %slice3A_69, %max3A_71 : vector<8x512xf32>
    %slice3A_73 = vector.extract_strided_slice %get3A_53 {offsets = [8, 0], sizes = [8, 512], strides = [1, 1]} : vector<32x512xf32> to vector<8x512xf32>
    %max3A_74 = arith.constant 0.000000e+00 : f32
    %max3A_75 = vector.broadcast %max3A_74 : f32 to vector<8x512xf32>
    %max3A_76 = arith.maximumf %slice3A_73, %max3A_75 : vector<8x512xf32>
    %add3A_77 = arith.addf %max3A_72, %max3A_76 : vector<8x512xf32>
    %slice3A_78 = vector.extract_strided_slice %get3A_53 {offsets = [16, 0], sizes = [8, 512], strides = [1, 1]} : vector<32x512xf32> to vector<8x512xf32>
    %max3A_79 = arith.constant 0.000000e+00 : f32
    %max3A_80 = vector.broadcast %max3A_79 : f32 to vector<8x512xf32>
    %max3A_81 = arith.maximumf %slice3A_78, %max3A_80 : vector<8x512xf32>
    %slice3A_82 = vector.extract_strided_slice %get3A_53 {offsets = [24, 0], sizes = [8, 512], strides = [1, 1]} : vector<32x512xf32> to vector<8x512xf32>
    %max3A_83 = arith.constant 0.000000e+00 : f32
    %max3A_84 = vector.broadcast %max3A_83 : f32 to vector<8x512xf32>
    %max3A_85 = arith.maximumf %slice3A_82, %max3A_84 : vector<8x512xf32>
    %add3A_86 = arith.addf %max3A_81, %max3A_85 : vector<8x512xf32>
    %add3A_87 = arith.addf %add3A_77, %add3A_86 : vector<8x512xf32>
    %log3A_88 = math.log %mul3A_68 : vector<8x512xf32>
    %log3A_89 = arith.constant 2.000000e+00 : f32
    %log3A_90 = math.log %log3A_89 : f32
    %div3A_91 = vector.broadcast %log3A_90 : f32 to vector<8x512xf32>
    %div3A_92 = arith.divf %log3A_88, %div3A_91 : vector<8x512xf32>
    %mul3A_93 = arith.constant 0.693147182 : f32
    %mul3A_94 = vector.broadcast %mul3A_93 : f32 to vector<8x512xf32>
    %mul3A_95 = arith.mulf %div3A_92, %mul3A_94 : vector<8x512xf32>
    %add3A_96 = arith.addf %add3A_87, %mul3A_95 : vector<8x512xf32>
    %add3A_97 = arith.addf %add3A_47, %add3A_96 : vector<8x512xf32>
    %get3A_98 = arith.constant 0 : index
    %get3A_99 = arith.constant 2 : index
    %get3A_100 = arith.constant 0 : index
    %get3A_101 = arith.constant 0 : index
    %get3A_102 = vector.load %arg2[%get3A_98, %get3A_99, %get3A_100, %get3A_101] : memref<1x19x32x512xf32, #tpu.memory_space<vmem>>, vector<1x1x32x512xf32>
    %get3A_103 = vector.shape_cast %get3A_102 : vector<1x1x32x512xf32> to vector<32x512xf32>
    %abs3A_104 = math.absf %get3A_103 : vector<32x512xf32>
    %mul3A_105 = arith.constant -1.44269502 : f32
    %mul3A_106 = vector.broadcast %mul3A_105 : f32 to vector<32x512xf32>
    %mul3A_107 = arith.mulf %abs3A_104, %mul3A_106 : vector<32x512xf32>
    %exp23A_108 = math.exp2 %mul3A_107 : vector<32x512xf32>
    %add3A_109 = arith.constant 1.000000e+00 : f32
    %add3A_110 = vector.broadcast %add3A_109 : f32 to vector<32x512xf32>
    %add3A_111 = arith.addf %add3A_110, %exp23A_108 : vector<32x512xf32>
    %slice3A_112 = vector.extract_strided_slice %add3A_111 {offsets = [0, 0], sizes = [8, 512], strides = [1, 1]} : vector<32x512xf32> to vector<8x512xf32>
    %slice3A_113 = vector.extract_strided_slice %add3A_111 {offsets = [8, 0], sizes = [8, 512], strides = [1, 1]} : vector<32x512xf32> to vector<8x512xf32>
    %mul3A_114 = arith.mulf %slice3A_112, %slice3A_113 : vector<8x512xf32>
    %slice3A_115 = vector.extract_strided_slice %add3A_111 {offsets = [16, 0], sizes = [8, 512], strides = [1, 1]} : vector<32x512xf32> to vector<8x512xf32>
    %slice3A_116 = vector.extract_strided_slice %add3A_111 {offsets = [24, 0], sizes = [8, 512], strides = [1, 1]} : vector<32x512xf32> to vector<8x512xf32>
    %mul3A_117 = arith.mulf %slice3A_115, %slice3A_116 : vector<8x512xf32>
    %mul3A_118 = arith.mulf %mul3A_114, %mul3A_117 : vector<8x512xf32>
    %slice3A_119 = vector.extract_strided_slice %get3A_103 {offsets = [0, 0], sizes = [8, 512], strides = [1, 1]} : vector<32x512xf32> to vector<8x512xf32>
    %max3A_120 = arith.constant 0.000000e+00 : f32
    %max3A_121 = vector.broadcast %max3A_120 : f32 to vector<8x512xf32>
    %max3A_122 = arith.maximumf %slice3A_119, %max3A_121 : vector<8x512xf32>
    %slice3A_123 = vector.extract_strided_slice %get3A_103 {offsets = [8, 0], sizes = [8, 512], strides = [1, 1]} : vector<32x512xf32> to vector<8x512xf32>
    %max3A_124 = arith.constant 0.000000e+00 : f32
    %max3A_125 = vector.broadcast %max3A_124 : f32 to vector<8x512xf32>
    %max3A_126 = arith.maximumf %slice3A_123, %max3A_125 : vector<8x512xf32>
    %add3A_127 = arith.addf %max3A_122, %max3A_126 : vector<8x512xf32>
    %slice3A_128 = vector.extract_strided_slice %get3A_103 {offsets = [16, 0], sizes = [8, 512], strides = [1, 1]} : vector<32x512xf32> to vector<8x512xf32>
    %max3A_129 = arith.constant 0.000000e+00 : f32
    %max3A_130 = vector.broadcast %max3A_129 : f32 to vector<8x512xf32>
    %max3A_131 = arith.maximumf %slice3A_128, %max3A_130 : vector<8x512xf32>
    %slice3A_132 = vector.extract_strided_slice %get3A_103 {offsets = [24, 0], sizes = [8, 512], strides = [1, 1]} : vector<32x512xf32> to vector<8x512xf32>
    %max3A_133 = arith.constant 0.000000e+00 : f32
    %max3A_134 = vector.broadcast %max3A_133 : f32 to vector<8x512xf32>
    %max3A_135 = arith.maximumf %slice3A_132, %max3A_134 : vector<8x512xf32>
    %add3A_136 = arith.addf %max3A_131, %max3A_135 : vector<8x512xf32>
    %add3A_137 = arith.addf %add3A_127, %add3A_136 : vector<8x512xf32>
    %log3A_138 = math.log %mul3A_118 : vector<8x512xf32>
    %log3A_139 = arith.constant 2.000000e+00 : f32
    %log3A_140 = math.log %log3A_139 : f32
    %div3A_141 = vector.broadcast %log3A_140 : f32 to vector<8x512xf32>
    %div3A_142 = arith.divf %log3A_138, %div3A_141 : vector<8x512xf32>
    %mul3A_143 = arith.constant 0.693147182 : f32
    %mul3A_144 = vector.broadcast %mul3A_143 : f32 to vector<8x512xf32>
    %mul3A_145 = arith.mulf %div3A_142, %mul3A_144 : vector<8x512xf32>
    %add3A_146 = arith.addf %add3A_137, %mul3A_145 : vector<8x512xf32>
    %add3A_147 = arith.addf %add3A_97, %add3A_146 : vector<8x512xf32>
    %get3A_148 = arith.constant 0 : index
    %get3A_149 = arith.constant 3 : index
    %get3A_150 = arith.constant 0 : index
    %get3A_151 = arith.constant 0 : index
    %get3A_152 = vector.load %arg2[%get3A_148, %get3A_149, %get3A_150, %get3A_151] : memref<1x19x32x512xf32, #tpu.memory_space<vmem>>, vector<1x1x32x512xf32>
    %get3A_153 = vector.shape_cast %get3A_152 : vector<1x1x32x512xf32> to vector<32x512xf32>
    %abs3A_154 = math.absf %get3A_153 : vector<32x512xf32>
    %mul3A_155 = arith.constant -1.44269502 : f32
    %mul3A_156 = vector.broadcast %mul3A_155 : f32 to vector<32x512xf32>
    %mul3A_157 = arith.mulf %abs3A_154, %mul3A_156 : vector<32x512xf32>
    %exp23A_158 = math.exp2 %mul3A_157 : vector<32x512xf32>
    %add3A_159 = arith.constant 1.000000e+00 : f32
    %add3A_160 = vector.broadcast %add3A_159 : f32 to vector<32x512xf32>
    %add3A_161 = arith.addf %add3A_160, %exp23A_158 : vector<32x512xf32>
    %slice3A_162 = vector.extract_strided_slice %add3A_161 {offsets = [0, 0], sizes = [8, 512], strides = [1, 1]} : vector<32x512xf32> to vector<8x512xf32>
    %slice3A_163 = vector.extract_strided_slice %add3A_161 {offsets = [8, 0], sizes = [8, 512], strides = [1, 1]} : vector<32x512xf32> to vector<8x512xf32>
    %mul3A_164 = arith.mulf %slice3A_162, %slice3A_163 : vector<8x512xf32>
    %slice3A_165 = vector.extract_strided_slice %add3A_161 {offsets = [16, 0], sizes = [8, 512], strides = [1, 1]} : vector<32x512xf32> to vector<8x512xf32>
    %slice3A_166 = vector.extract_strided_slice %add3A_161 {offsets = [24, 0], sizes = [8, 512], strides = [1, 1]} : vector<32x512xf32> to vector<8x512xf32>
    %mul3A_167 = arith.mulf %slice3A_165, %slice3A_166 : vector<8x512xf32>
    %mul3A_168 = arith.mulf %mul3A_164, %mul3A_167 : vector<8x512xf32>
    %slice3A_169 = vector.extract_strided_slice %get3A_153 {offsets = [0, 0], sizes = [8, 512], strides = [1, 1]} : vector<32x512xf32> to vector<8x512xf32>
    %max3A_170 = arith.constant 0.000000e+00 : f32
    %max3A_171 = vector.broadcast %max3A_170 : f32 to vector<8x512xf32>
    %max3A_172 = arith.maximumf %slice3A_169, %max3A_171 : vector<8x512xf32>
    %slice3A_173 = vector.extract_strided_slice %get3A_153 {offsets = [8, 0], sizes = [8, 512], strides = [1, 1]} : vector<32x512xf32> to vector<8x512xf32>
    %max3A_174 = arith.constant 0.000000e+00 : f32
    %max3A_175 = vector.broadcast %max3A_174 : f32 to vector<8x512xf32>
    %max3A_176 = arith.maximumf %slice3A_173, %max3A_175 : vector<8x512xf32>
    %add3A_177 = arith.addf %max3A_172, %max3A_176 : vector<8x512xf32>
    %slice3A_178 = vector.extract_strided_slice %get3A_153 {offsets = [16, 0], sizes = [8, 512], strides = [1, 1]} : vector<32x512xf32> to vector<8x512xf32>
    %max3A_179 = arith.constant 0.000000e+00 : f32
    %max3A_180 = vector.broadcast %max3A_179 : f32 to vector<8x512xf32>
    %max3A_181 = arith.maximumf %slice3A_178, %max3A_180 : vector<8x512xf32>
    %slice3A_182 = vector.extract_strided_slice %get3A_153 {offsets = [24, 0], sizes = [8, 512], strides = [1, 1]} : vector<32x512xf32> to vector<8x512xf32>
    %max3A_183 = arith.constant 0.000000e+00 : f32
    %max3A_184 = vector.broadcast %max3A_183 : f32 to vector<8x512xf32>
    %max3A_185 = arith.maximumf %slice3A_182, %max3A_184 : vector<8x512xf32>
    %add3A_186 = arith.addf %max3A_181, %max3A_185 : vector<8x512xf32>
    %add3A_187 = arith.addf %add3A_177, %add3A_186 : vector<8x512xf32>
    %log3A_188 = math.log %mul3A_168 : vector<8x512xf32>
    %log3A_189 = arith.constant 2.000000e+00 : f32
    %log3A_190 = math.log %log3A_189 : f32
    %div3A_191 = vector.broadcast %log3A_190 : f32 to vector<8x512xf32>
    %div3A_192 = arith.divf %log3A_188, %div3A_191 : vector<8x512xf32>
    %mul3A_193 = arith.constant 0.693147182 : f32
    %mul3A_194 = vector.broadcast %mul3A_193 : f32 to vector<8x512xf32>
    %mul3A_195 = arith.mulf %div3A_192, %mul3A_194 : vector<8x512xf32>
    %add3A_196 = arith.addf %add3A_187, %mul3A_195 : vector<8x512xf32>
    %add3A_197 = arith.addf %add3A_147, %add3A_196 : vector<8x512xf32>
    %get3A_198 = arith.constant 0 : index
    %get3A_199 = arith.constant 4 : index
    %get3A_200 = arith.constant 0 : index
    %get3A_201 = arith.constant 0 : index
    %get3A_202 = vector.load %arg2[%get3A_198, %get3A_199, %get3A_200, %get3A_201] : memref<1x19x32x512xf32, #tpu.memory_space<vmem>>, vector<1x1x32x512xf32>
    %get3A_203 = vector.shape_cast %get3A_202 : vector<1x1x32x512xf32> to vector<32x512xf32>
    %abs3A_204 = math.absf %get3A_203 : vector<32x512xf32>
    %mul3A_205 = arith.constant -1.44269502 : f32
    %mul3A_206 = vector.broadcast %mul3A_205 : f32 to vector<32x512xf32>
    %mul3A_207 = arith.mulf %abs3A_204, %mul3A_206 : vector<32x512xf32>
    %exp23A_208 = math.exp2 %mul3A_207 : vector<32x512xf32>
    %add3A_209 = arith.constant 1.000000e+00 : f32
    %add3A_210 = vector.broadcast %add3A_209 : f32 to vector<32x512xf32>
    %add3A_211 = arith.addf %add3A_210, %exp23A_208 : vector<32x512xf32>
    %slice3A_212 = vector.extract_strided_slice %add3A_211 {offsets = [0, 0], sizes = [8, 512], strides = [1, 1]} : vector<32x512xf32> to vector<8x512xf32>
    %slice3A_213 = vector.extract_strided_slice %add3A_211 {offsets = [8, 0], sizes = [8, 512], strides = [1, 1]} : vector<32x512xf32> to vector<8x512xf32>
    %mul3A_214 = arith.mulf %slice3A_212, %slice3A_213 : vector<8x512xf32>
    %slice3A_215 = vector.extract_strided_slice %add3A_211 {offsets = [16, 0], sizes = [8, 512], strides = [1, 1]} : vector<32x512xf32> to vector<8x512xf32>
    %slice3A_216 = vector.extract_strided_slice %add3A_211 {offsets = [24, 0], sizes = [8, 512], strides = [1, 1]} : vector<32x512xf32> to vector<8x512xf32>
    %mul3A_217 = arith.mulf %slice3A_215, %slice3A_216 : vector<8x512xf32>
    %mul3A_218 = arith.mulf %mul3A_214, %mul3A_217 : vector<8x512xf32>
    %slice3A_219 = vector.extract_strided_slice %get3A_203 {offsets = [0, 0], sizes = [8, 512], strides = [1, 1]} : vector<32x512xf32> to vector<8x512xf32>
    %max3A_220 = arith.constant 0.000000e+00 : f32
    %max3A_221 = vector.broadcast %max3A_220 : f32 to vector<8x512xf32>
    %max3A_222 = arith.maximumf %slice3A_219, %max3A_221 : vector<8x512xf32>
    %slice3A_223 = vector.extract_strided_slice %get3A_203 {offsets = [8, 0], sizes = [8, 512], strides = [1, 1]} : vector<32x512xf32> to vector<8x512xf32>
    %max3A_224 = arith.constant 0.000000e+00 : f32
    %max3A_225 = vector.broadcast %max3A_224 : f32 to vector<8x512xf32>
    %max3A_226 = arith.maximumf %slice3A_223, %max3A_225 : vector<8x512xf32>
    %add3A_227 = arith.addf %max3A_222, %max3A_226 : vector<8x512xf32>
    %slice3A_228 = vector.extract_strided_slice %get3A_203 {offsets = [16, 0], sizes = [8, 512], strides = [1, 1]} : vector<32x512xf32> to vector<8x512xf32>
    %max3A_229 = arith.constant 0.000000e+00 : f32
    %max3A_230 = vector.broadcast %max3A_229 : f32 to vector<8x512xf32>
    %max3A_231 = arith.maximumf %slice3A_228, %max3A_230 : vector<8x512xf32>
    %slice3A_232 = vector.extract_strided_slice %get3A_203 {offsets = [24, 0], sizes = [8, 512], strides = [1, 1]} : vector<32x512xf32> to vector<8x512xf32>
    %max3A_233 = arith.constant 0.000000e+00 : f32
    %max3A_234 = vector.broadcast %max3A_233 : f32 to vector<8x512xf32>
    %max3A_235 = arith.maximumf %slice3A_232, %max3A_234 : vector<8x512xf32>
    %add3A_236 = arith.addf %max3A_231, %max3A_235 : vector<8x512xf32>
    %add3A_237 = arith.addf %add3A_227, %add3A_236 : vector<8x512xf32>
    %log3A_238 = math.log %mul3A_218 : vector<8x512xf32>
    %log3A_239 = arith.constant 2.000000e+00 : f32
    %log3A_240 = math.log %log3A_239 : f32
    %div3A_241 = vector.broadcast %log3A_240 : f32 to vector<8x512xf32>
    %div3A_242 = arith.divf %log3A_238, %div3A_241 : vector<8x512xf32>
    %mul3A_243 = arith.constant 0.693147182 : f32
    %mul3A_244 = vector.broadcast %mul3A_243 : f32 to vector<8x512xf32>
    %mul3A_245 = arith.mulf %div3A_242, %mul3A_244 : vector<8x512xf32>
    %add3A_246 = arith.addf %add3A_237, %mul3A_245 : vector<8x512xf32>
    %add3A_247 = arith.addf %add3A_197, %add3A_246 : vector<8x512xf32>
    %get3A_248 = arith.constant 0 : index
    %get3A_249 = arith.constant 5 : index
    %get3A_250 = arith.constant 0 : index
    %get3A_251 = arith.constant 0 : index
    %get3A_252 = vector.load %arg2[%get3A_248, %get3A_249, %get3A_250, %get3A_251] : memref<1x19x32x512xf32, #tpu.memory_space<vmem>>, vector<1x1x32x512xf32>
    %get3A_253 = vector.shape_cast %get3A_252 : vector<1x1x32x512xf32> to vector<32x512xf32>
    %abs3A_254 = math.absf %get3A_253 : vector<32x512xf32>
    %mul3A_255 = arith.constant -1.44269502 : f32
    %mul3A_256 = vector.broadcast %mul3A_255 : f32 to vector<32x512xf32>
    %mul3A_257 = arith.mulf %abs3A_254, %mul3A_256 : vector<32x512xf32>
    %exp23A_258 = math.exp2 %mul3A_257 : vector<32x512xf32>
    %add3A_259 = arith.constant 1.000000e+00 : f32
    %add3A_260 = vector.broadcast %add3A_259 : f32 to vector<32x512xf32>
    %add3A_261 = arith.addf %add3A_260, %exp23A_258 : vector<32x512xf32>
    %slice3A_262 = vector.extract_strided_slice %add3A_261 {offsets = [0, 0], sizes = [8, 512], strides = [1, 1]} : vector<32x512xf32> to vector<8x512xf32>
    %slice3A_263 = vector.extract_strided_slice %add3A_261 {offsets = [8, 0], sizes = [8, 512], strides = [1, 1]} : vector<32x512xf32> to vector<8x512xf32>
    %mul3A_264 = arith.mulf %slice3A_262, %slice3A_263 : vector<8x512xf32>
    %slice3A_265 = vector.extract_strided_slice %add3A_261 {offsets = [16, 0], sizes = [8, 512], strides = [1, 1]} : vector<32x512xf32> to vector<8x512xf32>
    %slice3A_266 = vector.extract_strided_slice %add3A_261 {offsets = [24, 0], sizes = [8, 512], strides = [1, 1]} : vector<32x512xf32> to vector<8x512xf32>
    %mul3A_267 = arith.mulf %slice3A_265, %slice3A_266 : vector<8x512xf32>
    %mul3A_268 = arith.mulf %mul3A_264, %mul3A_267 : vector<8x512xf32>
    %slice3A_269 = vector.extract_strided_slice %get3A_253 {offsets = [0, 0], sizes = [8, 512], strides = [1, 1]} : vector<32x512xf32> to vector<8x512xf32>
    %max3A_270 = arith.constant 0.000000e+00 : f32
    %max3A_271 = vector.broadcast %max3A_270 : f32 to vector<8x512xf32>
    %max3A_272 = arith.maximumf %slice3A_269, %max3A_271 : vector<8x512xf32>
    %slice3A_273 = vector.extract_strided_slice %get3A_253 {offsets = [8, 0], sizes = [8, 512], strides = [1, 1]} : vector<32x512xf32> to vector<8x512xf32>
    %max3A_274 = arith.constant 0.000000e+00 : f32
    %max3A_275 = vector.broadcast %max3A_274 : f32 to vector<8x512xf32>
    %max3A_276 = arith.maximumf %slice3A_273, %max3A_275 : vector<8x512xf32>
    %add3A_277 = arith.addf %max3A_272, %max3A_276 : vector<8x512xf32>
    %slice3A_278 = vector.extract_strided_slice %get3A_253 {offsets = [16, 0], sizes = [8, 512], strides = [1, 1]} : vector<32x512xf32> to vector<8x512xf32>
    %max3A_279 = arith.constant 0.000000e+00 : f32
    %max3A_280 = vector.broadcast %max3A_279 : f32 to vector<8x512xf32>
    %max3A_281 = arith.maximumf %slice3A_278, %max3A_280 : vector<8x512xf32>
    %slice3A_282 = vector.extract_strided_slice %get3A_253 {offsets = [24, 0], sizes = [8, 512], strides = [1, 1]} : vector<32x512xf32> to vector<8x512xf32>
    %max3A_283 = arith.constant 0.000000e+00 : f32
    %max3A_284 = vector.broadcast %max3A_283 : f32 to vector<8x512xf32>
    %max3A_285 = arith.maximumf %slice3A_282, %max3A_284 : vector<8x512xf32>
    %add3A_286 = arith.addf %max3A_281, %max3A_285 : vector<8x512xf32>
    %add3A_287 = arith.addf %add3A_277, %add3A_286 : vector<8x512xf32>
    %log3A_288 = math.log %mul3A_268 : vector<8x512xf32>
    %log3A_289 = arith.constant 2.000000e+00 : f32
    %log3A_290 = math.log %log3A_289 : f32
    %div3A_291 = vector.broadcast %log3A_290 : f32 to vector<8x512xf32>
    %div3A_292 = arith.divf %log3A_288, %div3A_291 : vector<8x512xf32>
    %mul3A_293 = arith.constant 0.693147182 : f32
    %mul3A_294 = vector.broadcast %mul3A_293 : f32 to vector<8x512xf32>
    %mul3A_295 = arith.mulf %div3A_292, %mul3A_294 : vector<8x512xf32>
    %add3A_296 = arith.addf %add3A_287, %mul3A_295 : vector<8x512xf32>
    %add3A_297 = arith.addf %add3A_247, %add3A_296 : vector<8x512xf32>
    %get3A_298 = arith.constant 0 : index
    %get3A_299 = arith.constant 6 : index
    %get3A_300 = arith.constant 0 : index
    %get3A_301 = arith.constant 0 : index
    %get3A_302 = vector.load %arg2[%get3A_298, %get3A_299, %get3A_300, %get3A_301] : memref<1x19x32x512xf32, #tpu.memory_space<vmem>>, vector<1x1x32x512xf32>
    %get3A_303 = vector.shape_cast %get3A_302 : vector<1x1x32x512xf32> to vector<32x512xf32>
    %abs3A_304 = math.absf %get3A_303 : vector<32x512xf32>
    %mul3A_305 = arith.constant -1.44269502 : f32
    %mul3A_306 = vector.broadcast %mul3A_305 : f32 to vector<32x512xf32>
    %mul3A_307 = arith.mulf %abs3A_304, %mul3A_306 : vector<32x512xf32>
    %exp23A_308 = math.exp2 %mul3A_307 : vector<32x512xf32>
    %add3A_309 = arith.constant 1.000000e+00 : f32
    %add3A_310 = vector.broadcast %add3A_309 : f32 to vector<32x512xf32>
    %add3A_311 = arith.addf %add3A_310, %exp23A_308 : vector<32x512xf32>
    %slice3A_312 = vector.extract_strided_slice %add3A_311 {offsets = [0, 0], sizes = [8, 512], strides = [1, 1]} : vector<32x512xf32> to vector<8x512xf32>
    %slice3A_313 = vector.extract_strided_slice %add3A_311 {offsets = [8, 0], sizes = [8, 512], strides = [1, 1]} : vector<32x512xf32> to vector<8x512xf32>
    %mul3A_314 = arith.mulf %slice3A_312, %slice3A_313 : vector<8x512xf32>
    %slice3A_315 = vector.extract_strided_slice %add3A_311 {offsets = [16, 0], sizes = [8, 512], strides = [1, 1]} : vector<32x512xf32> to vector<8x512xf32>
    %slice3A_316 = vector.extract_strided_slice %add3A_311 {offsets = [24, 0], sizes = [8, 512], strides = [1, 1]} : vector<32x512xf32> to vector<8x512xf32>
    %mul3A_317 = arith.mulf %slice3A_315, %slice3A_316 : vector<8x512xf32>
    %mul3A_318 = arith.mulf %mul3A_314, %mul3A_317 : vector<8x512xf32>
    %slice3A_319 = vector.extract_strided_slice %get3A_303 {offsets = [0, 0], sizes = [8, 512], strides = [1, 1]} : vector<32x512xf32> to vector<8x512xf32>
    %max3A_320 = arith.constant 0.000000e+00 : f32
    %max3A_321 = vector.broadcast %max3A_320 : f32 to vector<8x512xf32>
    %max3A_322 = arith.maximumf %slice3A_319, %max3A_321 : vector<8x512xf32>
    %slice3A_323 = vector.extract_strided_slice %get3A_303 {offsets = [8, 0], sizes = [8, 512], strides = [1, 1]} : vector<32x512xf32> to vector<8x512xf32>
    %max3A_324 = arith.constant 0.000000e+00 : f32
    %max3A_325 = vector.broadcast %max3A_324 : f32 to vector<8x512xf32>
    %max3A_326 = arith.maximumf %slice3A_323, %max3A_325 : vector<8x512xf32>
    %add3A_327 = arith.addf %max3A_322, %max3A_326 : vector<8x512xf32>
    %slice3A_328 = vector.extract_strided_slice %get3A_303 {offsets = [16, 0], sizes = [8, 512], strides = [1, 1]} : vector<32x512xf32> to vector<8x512xf32>
    %max3A_329 = arith.constant 0.000000e+00 : f32
    %max3A_330 = vector.broadcast %max3A_329 : f32 to vector<8x512xf32>
    %max3A_331 = arith.maximumf %slice3A_328, %max3A_330 : vector<8x512xf32>
    %slice3A_332 = vector.extract_strided_slice %get3A_303 {offsets = [24, 0], sizes = [8, 512], strides = [1, 1]} : vector<32x512xf32> to vector<8x512xf32>
    %max3A_333 = arith.constant 0.000000e+00 : f32
    %max3A_334 = vector.broadcast %max3A_333 : f32 to vector<8x512xf32>
    %max3A_335 = arith.maximumf %slice3A_332, %max3A_334 : vector<8x512xf32>
    %add3A_336 = arith.addf %max3A_331, %max3A_335 : vector<8x512xf32>
    %add3A_337 = arith.addf %add3A_327, %add3A_336 : vector<8x512xf32>
    %log3A_338 = math.log %mul3A_318 : vector<8x512xf32>
    %log3A_339 = arith.constant 2.000000e+00 : f32
    %log3A_340 = math.log %log3A_339 : f32
    %div3A_341 = vector.broadcast %log3A_340 : f32 to vector<8x512xf32>
    %div3A_342 = arith.divf %log3A_338, %div3A_341 : vector<8x512xf32>
    %mul3A_343 = arith.constant 0.693147182 : f32
    %mul3A_344 = vector.broadcast %mul3A_343 : f32 to vector<8x512xf32>
    %mul3A_345 = arith.mulf %div3A_342, %mul3A_344 : vector<8x512xf32>
    %add3A_346 = arith.addf %add3A_337, %mul3A_345 : vector<8x512xf32>
    %add3A_347 = arith.addf %add3A_297, %add3A_346 : vector<8x512xf32>
    %get3A_348 = arith.constant 0 : index
    %get3A_349 = arith.constant 7 : index
    %get3A_350 = arith.constant 0 : index
    %get3A_351 = arith.constant 0 : index
    %get3A_352 = vector.load %arg2[%get3A_348, %get3A_349, %get3A_350, %get3A_351] : memref<1x19x32x512xf32, #tpu.memory_space<vmem>>, vector<1x1x32x512xf32>
    %get3A_353 = vector.shape_cast %get3A_352 : vector<1x1x32x512xf32> to vector<32x512xf32>
    %abs3A_354 = math.absf %get3A_353 : vector<32x512xf32>
    %mul3A_355 = arith.constant -1.44269502 : f32
    %mul3A_356 = vector.broadcast %mul3A_355 : f32 to vector<32x512xf32>
    %mul3A_357 = arith.mulf %abs3A_354, %mul3A_356 : vector<32x512xf32>
    %exp23A_358 = math.exp2 %mul3A_357 : vector<32x512xf32>
    %add3A_359 = arith.constant 1.000000e+00 : f32
    %add3A_360 = vector.broadcast %add3A_359 : f32 to vector<32x512xf32>
    %add3A_361 = arith.addf %add3A_360, %exp23A_358 : vector<32x512xf32>
    %slice3A_362 = vector.extract_strided_slice %add3A_361 {offsets = [0, 0], sizes = [8, 512], strides = [1, 1]} : vector<32x512xf32> to vector<8x512xf32>
    %slice3A_363 = vector.extract_strided_slice %add3A_361 {offsets = [8, 0], sizes = [8, 512], strides = [1, 1]} : vector<32x512xf32> to vector<8x512xf32>
    %mul3A_364 = arith.mulf %slice3A_362, %slice3A_363 : vector<8x512xf32>
    %slice3A_365 = vector.extract_strided_slice %add3A_361 {offsets = [16, 0], sizes = [8, 512], strides = [1, 1]} : vector<32x512xf32> to vector<8x512xf32>
    %slice3A_366 = vector.extract_strided_slice %add3A_361 {offsets = [24, 0], sizes = [8, 512], strides = [1, 1]} : vector<32x512xf32> to vector<8x512xf32>
    %mul3A_367 = arith.mulf %slice3A_365, %slice3A_366 : vector<8x512xf32>
    %mul3A_368 = arith.mulf %mul3A_364, %mul3A_367 : vector<8x512xf32>
    %slice3A_369 = vector.extract_strided_slice %get3A_353 {offsets = [0, 0], sizes = [8, 512], strides = [1, 1]} : vector<32x512xf32> to vector<8x512xf32>
    %max3A_370 = arith.constant 0.000000e+00 : f32
    %max3A_371 = vector.broadcast %max3A_370 : f32 to vector<8x512xf32>
    %max3A_372 = arith.maximumf %slice3A_369, %max3A_371 : vector<8x512xf32>
    %slice3A_373 = vector.extract_strided_slice %get3A_353 {offsets = [8, 0], sizes = [8, 512], strides = [1, 1]} : vector<32x512xf32> to vector<8x512xf32>
    %max3A_374 = arith.constant 0.000000e+00 : f32
    %max3A_375 = vector.broadcast %max3A_374 : f32 to vector<8x512xf32>
    %max3A_376 = arith.maximumf %slice3A_373, %max3A_375 : vector<8x512xf32>
    %add3A_377 = arith.addf %max3A_372, %max3A_376 : vector<8x512xf32>
    %slice3A_378 = vector.extract_strided_slice %get3A_353 {offsets = [16, 0], sizes = [8, 512], strides = [1, 1]} : vector<32x512xf32> to vector<8x512xf32>
    %max3A_379 = arith.constant 0.000000e+00 : f32
    %max3A_380 = vector.broadcast %max3A_379 : f32 to vector<8x512xf32>
    %max3A_381 = arith.maximumf %slice3A_378, %max3A_380 : vector<8x512xf32>
    %slice3A_382 = vector.extract_strided_slice %get3A_353 {offsets = [24, 0], sizes = [8, 512], strides = [1, 1]} : vector<32x512xf32> to vector<8x512xf32>
    %max3A_383 = arith.constant 0.000000e+00 : f32
    %max3A_384 = vector.broadcast %max3A_383 : f32 to vector<8x512xf32>
    %max3A_385 = arith.maximumf %slice3A_382, %max3A_384 : vector<8x512xf32>
    %add3A_386 = arith.addf %max3A_381, %max3A_385 : vector<8x512xf32>
    %add3A_387 = arith.addf %add3A_377, %add3A_386 : vector<8x512xf32>
    %log3A_388 = math.log %mul3A_368 : vector<8x512xf32>
    %log3A_389 = arith.constant 2.000000e+00 : f32
    %log3A_390 = math.log %log3A_389 : f32
    %div3A_391 = vector.broadcast %log3A_390 : f32 to vector<8x512xf32>
    %div3A_392 = arith.divf %log3A_388, %div3A_391 : vector<8x512xf32>
    %mul3A_393 = arith.constant 0.693147182 : f32
    %mul3A_394 = vector.broadcast %mul3A_393 : f32 to vector<8x512xf32>
    %mul3A_395 = arith.mulf %div3A_392, %mul3A_394 : vector<8x512xf32>
    %add3A_396 = arith.addf %add3A_387, %mul3A_395 : vector<8x512xf32>
    %add3A_397 = arith.addf %add3A_347, %add3A_396 : vector<8x512xf32>
    %get3A_398 = arith.constant 0 : index
    %get3A_399 = arith.constant 8 : index
    %get3A_400 = arith.constant 0 : index
    %get3A_401 = arith.constant 0 : index
    %get3A_402 = vector.load %arg2[%get3A_398, %get3A_399, %get3A_400, %get3A_401] : memref<1x19x32x512xf32, #tpu.memory_space<vmem>>, vector<1x1x32x512xf32>
    %get3A_403 = vector.shape_cast %get3A_402 : vector<1x1x32x512xf32> to vector<32x512xf32>
    %abs3A_404 = math.absf %get3A_403 : vector<32x512xf32>
    %mul3A_405 = arith.constant -1.44269502 : f32
    %mul3A_406 = vector.broadcast %mul3A_405 : f32 to vector<32x512xf32>
    %mul3A_407 = arith.mulf %abs3A_404, %mul3A_406 : vector<32x512xf32>
    %exp23A_408 = math.exp2 %mul3A_407 : vector<32x512xf32>
    %add3A_409 = arith.constant 1.000000e+00 : f32
    %add3A_410 = vector.broadcast %add3A_409 : f32 to vector<32x512xf32>
    %add3A_411 = arith.addf %add3A_410, %exp23A_408 : vector<32x512xf32>
    %slice3A_412 = vector.extract_strided_slice %add3A_411 {offsets = [0, 0], sizes = [8, 512], strides = [1, 1]} : vector<32x512xf32> to vector<8x512xf32>
    %slice3A_413 = vector.extract_strided_slice %add3A_411 {offsets = [8, 0], sizes = [8, 512], strides = [1, 1]} : vector<32x512xf32> to vector<8x512xf32>
    %mul3A_414 = arith.mulf %slice3A_412, %slice3A_413 : vector<8x512xf32>
    %slice3A_415 = vector.extract_strided_slice %add3A_411 {offsets = [16, 0], sizes = [8, 512], strides = [1, 1]} : vector<32x512xf32> to vector<8x512xf32>
    %slice3A_416 = vector.extract_strided_slice %add3A_411 {offsets = [24, 0], sizes = [8, 512], strides = [1, 1]} : vector<32x512xf32> to vector<8x512xf32>
    %mul3A_417 = arith.mulf %slice3A_415, %slice3A_416 : vector<8x512xf32>
    %mul3A_418 = arith.mulf %mul3A_414, %mul3A_417 : vector<8x512xf32>
    %slice3A_419 = vector.extract_strided_slice %get3A_403 {offsets = [0, 0], sizes = [8, 512], strides = [1, 1]} : vector<32x512xf32> to vector<8x512xf32>
    %max3A_420 = arith.constant 0.000000e+00 : f32
    %max3A_421 = vector.broadcast %max3A_420 : f32 to vector<8x512xf32>
    %max3A_422 = arith.maximumf %slice3A_419, %max3A_421 : vector<8x512xf32>
    %slice3A_423 = vector.extract_strided_slice %get3A_403 {offsets = [8, 0], sizes = [8, 512], strides = [1, 1]} : vector<32x512xf32> to vector<8x512xf32>
    %max3A_424 = arith.constant 0.000000e+00 : f32
    %max3A_425 = vector.broadcast %max3A_424 : f32 to vector<8x512xf32>
    %max3A_426 = arith.maximumf %slice3A_423, %max3A_425 : vector<8x512xf32>
    %add3A_427 = arith.addf %max3A_422, %max3A_426 : vector<8x512xf32>
    %slice3A_428 = vector.extract_strided_slice %get3A_403 {offsets = [16, 0], sizes = [8, 512], strides = [1, 1]} : vector<32x512xf32> to vector<8x512xf32>
    %max3A_429 = arith.constant 0.000000e+00 : f32
    %max3A_430 = vector.broadcast %max3A_429 : f32 to vector<8x512xf32>
    %max3A_431 = arith.maximumf %slice3A_428, %max3A_430 : vector<8x512xf32>
    %slice3A_432 = vector.extract_strided_slice %get3A_403 {offsets = [24, 0], sizes = [8, 512], strides = [1, 1]} : vector<32x512xf32> to vector<8x512xf32>
    %max3A_433 = arith.constant 0.000000e+00 : f32
    %max3A_434 = vector.broadcast %max3A_433 : f32 to vector<8x512xf32>
    %max3A_435 = arith.maximumf %slice3A_432, %max3A_434 : vector<8x512xf32>
    %add3A_436 = arith.addf %max3A_431, %max3A_435 : vector<8x512xf32>
    %add3A_437 = arith.addf %add3A_427, %add3A_436 : vector<8x512xf32>
    %log3A_438 = math.log %mul3A_418 : vector<8x512xf32>
    %log3A_439 = arith.constant 2.000000e+00 : f32
    %log3A_440 = math.log %log3A_439 : f32
    %div3A_441 = vector.broadcast %log3A_440 : f32 to vector<8x512xf32>
    %div3A_442 = arith.divf %log3A_438, %div3A_441 : vector<8x512xf32>
    %mul3A_443 = arith.constant 0.693147182 : f32
    %mul3A_444 = vector.broadcast %mul3A_443 : f32 to vector<8x512xf32>
    %mul3A_445 = arith.mulf %div3A_442, %mul3A_444 : vector<8x512xf32>
    %add3A_446 = arith.addf %add3A_437, %mul3A_445 : vector<8x512xf32>
    %add3A_447 = arith.addf %add3A_397, %add3A_446 : vector<8x512xf32>
    %get3A_448 = arith.constant 0 : index
    %get3A_449 = arith.constant 9 : index
    %get3A_450 = arith.constant 0 : index
    %get3A_451 = arith.constant 0 : index
    %get3A_452 = vector.load %arg2[%get3A_448, %get3A_449, %get3A_450, %get3A_451] : memref<1x19x32x512xf32, #tpu.memory_space<vmem>>, vector<1x1x32x512xf32>
    %get3A_453 = vector.shape_cast %get3A_452 : vector<1x1x32x512xf32> to vector<32x512xf32>
    %abs3A_454 = math.absf %get3A_453 : vector<32x512xf32>
    %mul3A_455 = arith.constant -1.44269502 : f32
    %mul3A_456 = vector.broadcast %mul3A_455 : f32 to vector<32x512xf32>
    %mul3A_457 = arith.mulf %abs3A_454, %mul3A_456 : vector<32x512xf32>
    %exp23A_458 = math.exp2 %mul3A_457 : vector<32x512xf32>
    %add3A_459 = arith.constant 1.000000e+00 : f32
    %add3A_460 = vector.broadcast %add3A_459 : f32 to vector<32x512xf32>
    %add3A_461 = arith.addf %add3A_460, %exp23A_458 : vector<32x512xf32>
    %slice3A_462 = vector.extract_strided_slice %add3A_461 {offsets = [0, 0], sizes = [8, 512], strides = [1, 1]} : vector<32x512xf32> to vector<8x512xf32>
    %slice3A_463 = vector.extract_strided_slice %add3A_461 {offsets = [8, 0], sizes = [8, 512], strides = [1, 1]} : vector<32x512xf32> to vector<8x512xf32>
    %mul3A_464 = arith.mulf %slice3A_462, %slice3A_463 : vector<8x512xf32>
    %slice3A_465 = vector.extract_strided_slice %add3A_461 {offsets = [16, 0], sizes = [8, 512], strides = [1, 1]} : vector<32x512xf32> to vector<8x512xf32>
    %slice3A_466 = vector.extract_strided_slice %add3A_461 {offsets = [24, 0], sizes = [8, 512], strides = [1, 1]} : vector<32x512xf32> to vector<8x512xf32>
    %mul3A_467 = arith.mulf %slice3A_465, %slice3A_466 : vector<8x512xf32>
    %mul3A_468 = arith.mulf %mul3A_464, %mul3A_467 : vector<8x512xf32>
    %slice3A_469 = vector.extract_strided_slice %get3A_453 {offsets = [0, 0], sizes = [8, 512], strides = [1, 1]} : vector<32x512xf32> to vector<8x512xf32>
    %max3A_470 = arith.constant 0.000000e+00 : f32
    %max3A_471 = vector.broadcast %max3A_470 : f32 to vector<8x512xf32>
    %max3A_472 = arith.maximumf %slice3A_469, %max3A_471 : vector<8x512xf32>
    %slice3A_473 = vector.extract_strided_slice %get3A_453 {offsets = [8, 0], sizes = [8, 512], strides = [1, 1]} : vector<32x512xf32> to vector<8x512xf32>
    %max3A_474 = arith.constant 0.000000e+00 : f32
    %max3A_475 = vector.broadcast %max3A_474 : f32 to vector<8x512xf32>
    %max3A_476 = arith.maximumf %slice3A_473, %max3A_475 : vector<8x512xf32>
    %add3A_477 = arith.addf %max3A_472, %max3A_476 : vector<8x512xf32>
    %slice3A_478 = vector.extract_strided_slice %get3A_453 {offsets = [16, 0], sizes = [8, 512], strides = [1, 1]} : vector<32x512xf32> to vector<8x512xf32>
    %max3A_479 = arith.constant 0.000000e+00 : f32
    %max3A_480 = vector.broadcast %max3A_479 : f32 to vector<8x512xf32>
    %max3A_481 = arith.maximumf %slice3A_478, %max3A_480 : vector<8x512xf32>
    %slice3A_482 = vector.extract_strided_slice %get3A_453 {offsets = [24, 0], sizes = [8, 512], strides = [1, 1]} : vector<32x512xf32> to vector<8x512xf32>
    %max3A_483 = arith.constant 0.000000e+00 : f32
    %max3A_484 = vector.broadcast %max3A_483 : f32 to vector<8x512xf32>
    %max3A_485 = arith.maximumf %slice3A_482, %max3A_484 : vector<8x512xf32>
    %add3A_486 = arith.addf %max3A_481, %max3A_485 : vector<8x512xf32>
    %add3A_487 = arith.addf %add3A_477, %add3A_486 : vector<8x512xf32>
    %log3A_488 = math.log %mul3A_468 : vector<8x512xf32>
    %log3A_489 = arith.constant 2.000000e+00 : f32
    %log3A_490 = math.log %log3A_489 : f32
    %div3A_491 = vector.broadcast %log3A_490 : f32 to vector<8x512xf32>
    %div3A_492 = arith.divf %log3A_488, %div3A_491 : vector<8x512xf32>
    %mul3A_493 = arith.constant 0.693147182 : f32
    %mul3A_494 = vector.broadcast %mul3A_493 : f32 to vector<8x512xf32>
    %mul3A_495 = arith.mulf %div3A_492, %mul3A_494 : vector<8x512xf32>
    %add3A_496 = arith.addf %add3A_487, %mul3A_495 : vector<8x512xf32>
    %add3A_497 = arith.addf %add3A_447, %add3A_496 : vector<8x512xf32>
    %get3A_498 = arith.constant 0 : index
    %get3A_499 = arith.constant 10 : index
    %get3A_500 = arith.constant 0 : index
    %get3A_501 = arith.constant 0 : index
    %get3A_502 = vector.load %arg2[%get3A_498, %get3A_499, %get3A_500, %get3A_501] : memref<1x19x32x512xf32, #tpu.memory_space<vmem>>, vector<1x1x32x512xf32>
    %get3A_503 = vector.shape_cast %get3A_502 : vector<1x1x32x512xf32> to vector<32x512xf32>
    %abs3A_504 = math.absf %get3A_503 : vector<32x512xf32>
    %mul3A_505 = arith.constant -1.44269502 : f32
    %mul3A_506 = vector.broadcast %mul3A_505 : f32 to vector<32x512xf32>
    %mul3A_507 = arith.mulf %abs3A_504, %mul3A_506 : vector<32x512xf32>
    %exp23A_508 = math.exp2 %mul3A_507 : vector<32x512xf32>
    %add3A_509 = arith.constant 1.000000e+00 : f32
    %add3A_510 = vector.broadcast %add3A_509 : f32 to vector<32x512xf32>
    %add3A_511 = arith.addf %add3A_510, %exp23A_508 : vector<32x512xf32>
    %slice3A_512 = vector.extract_strided_slice %add3A_511 {offsets = [0, 0], sizes = [8, 512], strides = [1, 1]} : vector<32x512xf32> to vector<8x512xf32>
    %slice3A_513 = vector.extract_strided_slice %add3A_511 {offsets = [8, 0], sizes = [8, 512], strides = [1, 1]} : vector<32x512xf32> to vector<8x512xf32>
    %mul3A_514 = arith.mulf %slice3A_512, %slice3A_513 : vector<8x512xf32>
    %slice3A_515 = vector.extract_strided_slice %add3A_511 {offsets = [16, 0], sizes = [8, 512], strides = [1, 1]} : vector<32x512xf32> to vector<8x512xf32>
    %slice3A_516 = vector.extract_strided_slice %add3A_511 {offsets = [24, 0], sizes = [8, 512], strides = [1, 1]} : vector<32x512xf32> to vector<8x512xf32>
    %mul3A_517 = arith.mulf %slice3A_515, %slice3A_516 : vector<8x512xf32>
    %mul3A_518 = arith.mulf %mul3A_514, %mul3A_517 : vector<8x512xf32>
    %slice3A_519 = vector.extract_strided_slice %get3A_503 {offsets = [0, 0], sizes = [8, 512], strides = [1, 1]} : vector<32x512xf32> to vector<8x512xf32>
    %max3A_520 = arith.constant 0.000000e+00 : f32
    %max3A_521 = vector.broadcast %max3A_520 : f32 to vector<8x512xf32>
    %max3A_522 = arith.maximumf %slice3A_519, %max3A_521 : vector<8x512xf32>
    %slice3A_523 = vector.extract_strided_slice %get3A_503 {offsets = [8, 0], sizes = [8, 512], strides = [1, 1]} : vector<32x512xf32> to vector<8x512xf32>
    %max3A_524 = arith.constant 0.000000e+00 : f32
    %max3A_525 = vector.broadcast %max3A_524 : f32 to vector<8x512xf32>
    %max3A_526 = arith.maximumf %slice3A_523, %max3A_525 : vector<8x512xf32>
    %add3A_527 = arith.addf %max3A_522, %max3A_526 : vector<8x512xf32>
    %slice3A_528 = vector.extract_strided_slice %get3A_503 {offsets = [16, 0], sizes = [8, 512], strides = [1, 1]} : vector<32x512xf32> to vector<8x512xf32>
    %max3A_529 = arith.constant 0.000000e+00 : f32
    %max3A_530 = vector.broadcast %max3A_529 : f32 to vector<8x512xf32>
    %max3A_531 = arith.maximumf %slice3A_528, %max3A_530 : vector<8x512xf32>
    %slice3A_532 = vector.extract_strided_slice %get3A_503 {offsets = [24, 0], sizes = [8, 512], strides = [1, 1]} : vector<32x512xf32> to vector<8x512xf32>
    %max3A_533 = arith.constant 0.000000e+00 : f32
    %max3A_534 = vector.broadcast %max3A_533 : f32 to vector<8x512xf32>
    %max3A_535 = arith.maximumf %slice3A_532, %max3A_534 : vector<8x512xf32>
    %add3A_536 = arith.addf %max3A_531, %max3A_535 : vector<8x512xf32>
    %add3A_537 = arith.addf %add3A_527, %add3A_536 : vector<8x512xf32>
    %log3A_538 = math.log %mul3A_518 : vector<8x512xf32>
    %log3A_539 = arith.constant 2.000000e+00 : f32
    %log3A_540 = math.log %log3A_539 : f32
    %div3A_541 = vector.broadcast %log3A_540 : f32 to vector<8x512xf32>
    %div3A_542 = arith.divf %log3A_538, %div3A_541 : vector<8x512xf32>
    %mul3A_543 = arith.constant 0.693147182 : f32
    %mul3A_544 = vector.broadcast %mul3A_543 : f32 to vector<8x512xf32>
    %mul3A_545 = arith.mulf %div3A_542, %mul3A_544 : vector<8x512xf32>
    %add3A_546 = arith.addf %add3A_537, %mul3A_545 : vector<8x512xf32>
    %add3A_547 = arith.addf %add3A_497, %add3A_546 : vector<8x512xf32>
    %get3A_548 = arith.constant 0 : index
    %get3A_549 = arith.constant 11 : index
    %get3A_550 = arith.constant 0 : index
    %get3A_551 = arith.constant 0 : index
    %get3A_552 = vector.load %arg2[%get3A_548, %get3A_549, %get3A_550, %get3A_551] : memref<1x19x32x512xf32, #tpu.memory_space<vmem>>, vector<1x1x32x512xf32>
    %get3A_553 = vector.shape_cast %get3A_552 : vector<1x1x32x512xf32> to vector<32x512xf32>
    %abs3A_554 = math.absf %get3A_553 : vector<32x512xf32>
    %mul3A_555 = arith.constant -1.44269502 : f32
    %mul3A_556 = vector.broadcast %mul3A_555 : f32 to vector<32x512xf32>
    %mul3A_557 = arith.mulf %abs3A_554, %mul3A_556 : vector<32x512xf32>
    %exp23A_558 = math.exp2 %mul3A_557 : vector<32x512xf32>
    %add3A_559 = arith.constant 1.000000e+00 : f32
    %add3A_560 = vector.broadcast %add3A_559 : f32 to vector<32x512xf32>
    %add3A_561 = arith.addf %add3A_560, %exp23A_558 : vector<32x512xf32>
    %slice3A_562 = vector.extract_strided_slice %add3A_561 {offsets = [0, 0], sizes = [8, 512], strides = [1, 1]} : vector<32x512xf32> to vector<8x512xf32>
    %slice3A_563 = vector.extract_strided_slice %add3A_561 {offsets = [8, 0], sizes = [8, 512], strides = [1, 1]} : vector<32x512xf32> to vector<8x512xf32>
    %mul3A_564 = arith.mulf %slice3A_562, %slice3A_563 : vector<8x512xf32>
    %slice3A_565 = vector.extract_strided_slice %add3A_561 {offsets = [16, 0], sizes = [8, 512], strides = [1, 1]} : vector<32x512xf32> to vector<8x512xf32>
    %slice3A_566 = vector.extract_strided_slice %add3A_561 {offsets = [24, 0], sizes = [8, 512], strides = [1, 1]} : vector<32x512xf32> to vector<8x512xf32>
    %mul3A_567 = arith.mulf %slice3A_565, %slice3A_566 : vector<8x512xf32>
    %mul3A_568 = arith.mulf %mul3A_564, %mul3A_567 : vector<8x512xf32>
    %slice3A_569 = vector.extract_strided_slice %get3A_553 {offsets = [0, 0], sizes = [8, 512], strides = [1, 1]} : vector<32x512xf32> to vector<8x512xf32>
    %max3A_570 = arith.constant 0.000000e+00 : f32
    %max3A_571 = vector.broadcast %max3A_570 : f32 to vector<8x512xf32>
    %max3A_572 = arith.maximumf %slice3A_569, %max3A_571 : vector<8x512xf32>
    %slice3A_573 = vector.extract_strided_slice %get3A_553 {offsets = [8, 0], sizes = [8, 512], strides = [1, 1]} : vector<32x512xf32> to vector<8x512xf32>
    %max3A_574 = arith.constant 0.000000e+00 : f32
    %max3A_575 = vector.broadcast %max3A_574 : f32 to vector<8x512xf32>
    %max3A_576 = arith.maximumf %slice3A_573, %max3A_575 : vector<8x512xf32>
    %add3A_577 = arith.addf %max3A_572, %max3A_576 : vector<8x512xf32>
    %slice3A_578 = vector.extract_strided_slice %get3A_553 {offsets = [16, 0], sizes = [8, 512], strides = [1, 1]} : vector<32x512xf32> to vector<8x512xf32>
    %max3A_579 = arith.constant 0.000000e+00 : f32
    %max3A_580 = vector.broadcast %max3A_579 : f32 to vector<8x512xf32>
    %max3A_581 = arith.maximumf %slice3A_578, %max3A_580 : vector<8x512xf32>
    %slice3A_582 = vector.extract_strided_slice %get3A_553 {offsets = [24, 0], sizes = [8, 512], strides = [1, 1]} : vector<32x512xf32> to vector<8x512xf32>
    %max3A_583 = arith.constant 0.000000e+00 : f32
    %max3A_584 = vector.broadcast %max3A_583 : f32 to vector<8x512xf32>
    %max3A_585 = arith.maximumf %slice3A_582, %max3A_584 : vector<8x512xf32>
    %add3A_586 = arith.addf %max3A_581, %max3A_585 : vector<8x512xf32>
    %add3A_587 = arith.addf %add3A_577, %add3A_586 : vector<8x512xf32>
    %log3A_588 = math.log %mul3A_568 : vector<8x512xf32>
    %log3A_589 = arith.constant 2.000000e+00 : f32
    %log3A_590 = math.log %log3A_589 : f32
    %div3A_591 = vector.broadcast %log3A_590 : f32 to vector<8x512xf32>
    %div3A_592 = arith.divf %log3A_588, %div3A_591 : vector<8x512xf32>
    %mul3A_593 = arith.constant 0.693147182 : f32
    %mul3A_594 = vector.broadcast %mul3A_593 : f32 to vector<8x512xf32>
    %mul3A_595 = arith.mulf %div3A_592, %mul3A_594 : vector<8x512xf32>
    %add3A_596 = arith.addf %add3A_587, %mul3A_595 : vector<8x512xf32>
    %add3A_597 = arith.addf %add3A_547, %add3A_596 : vector<8x512xf32>
    %get3A_598 = arith.constant 0 : index
    %get3A_599 = arith.constant 12 : index
    %get3A_600 = arith.constant 0 : index
    %get3A_601 = arith.constant 0 : index
    %get3A_602 = vector.load %arg2[%get3A_598, %get3A_599, %get3A_600, %get3A_601] : memref<1x19x32x512xf32, #tpu.memory_space<vmem>>, vector<1x1x32x512xf32>
    %get3A_603 = vector.shape_cast %get3A_602 : vector<1x1x32x512xf32> to vector<32x512xf32>
    %abs3A_604 = math.absf %get3A_603 : vector<32x512xf32>
    %mul3A_605 = arith.constant -1.44269502 : f32
    %mul3A_606 = vector.broadcast %mul3A_605 : f32 to vector<32x512xf32>
    %mul3A_607 = arith.mulf %abs3A_604, %mul3A_606 : vector<32x512xf32>
    %exp23A_608 = math.exp2 %mul3A_607 : vector<32x512xf32>
    %add3A_609 = arith.constant 1.000000e+00 : f32
    %add3A_610 = vector.broadcast %add3A_609 : f32 to vector<32x512xf32>
    %add3A_611 = arith.addf %add3A_610, %exp23A_608 : vector<32x512xf32>
    %slice3A_612 = vector.extract_strided_slice %add3A_611 {offsets = [0, 0], sizes = [8, 512], strides = [1, 1]} : vector<32x512xf32> to vector<8x512xf32>
    %slice3A_613 = vector.extract_strided_slice %add3A_611 {offsets = [8, 0], sizes = [8, 512], strides = [1, 1]} : vector<32x512xf32> to vector<8x512xf32>
    %mul3A_614 = arith.mulf %slice3A_612, %slice3A_613 : vector<8x512xf32>
    %slice3A_615 = vector.extract_strided_slice %add3A_611 {offsets = [16, 0], sizes = [8, 512], strides = [1, 1]} : vector<32x512xf32> to vector<8x512xf32>
    %slice3A_616 = vector.extract_strided_slice %add3A_611 {offsets = [24, 0], sizes = [8, 512], strides = [1, 1]} : vector<32x512xf32> to vector<8x512xf32>
    %mul3A_617 = arith.mulf %slice3A_615, %slice3A_616 : vector<8x512xf32>
    %mul3A_618 = arith.mulf %mul3A_614, %mul3A_617 : vector<8x512xf32>
    %slice3A_619 = vector.extract_strided_slice %get3A_603 {offsets = [0, 0], sizes = [8, 512], strides = [1, 1]} : vector<32x512xf32> to vector<8x512xf32>
    %max3A_620 = arith.constant 0.000000e+00 : f32
    %max3A_621 = vector.broadcast %max3A_620 : f32 to vector<8x512xf32>
    %max3A_622 = arith.maximumf %slice3A_619, %max3A_621 : vector<8x512xf32>
    %slice3A_623 = vector.extract_strided_slice %get3A_603 {offsets = [8, 0], sizes = [8, 512], strides = [1, 1]} : vector<32x512xf32> to vector<8x512xf32>
    %max3A_624 = arith.constant 0.000000e+00 : f32
    %max3A_625 = vector.broadcast %max3A_624 : f32 to vector<8x512xf32>
    %max3A_626 = arith.maximumf %slice3A_623, %max3A_625 : vector<8x512xf32>
    %add3A_627 = arith.addf %max3A_622, %max3A_626 : vector<8x512xf32>
    %slice3A_628 = vector.extract_strided_slice %get3A_603 {offsets = [16, 0], sizes = [8, 512], strides = [1, 1]} : vector<32x512xf32> to vector<8x512xf32>
    %max3A_629 = arith.constant 0.000000e+00 : f32
    %max3A_630 = vector.broadcast %max3A_629 : f32 to vector<8x512xf32>
    %max3A_631 = arith.maximumf %slice3A_628, %max3A_630 : vector<8x512xf32>
    %slice3A_632 = vector.extract_strided_slice %get3A_603 {offsets = [24, 0], sizes = [8, 512], strides = [1, 1]} : vector<32x512xf32> to vector<8x512xf32>
    %max3A_633 = arith.constant 0.000000e+00 : f32
    %max3A_634 = vector.broadcast %max3A_633 : f32 to vector<8x512xf32>
    %max3A_635 = arith.maximumf %slice3A_632, %max3A_634 : vector<8x512xf32>
    %add3A_636 = arith.addf %max3A_631, %max3A_635 : vector<8x512xf32>
    %add3A_637 = arith.addf %add3A_627, %add3A_636 : vector<8x512xf32>
    %log3A_638 = math.log %mul3A_618 : vector<8x512xf32>
    %log3A_639 = arith.constant 2.000000e+00 : f32
    %log3A_640 = math.log %log3A_639 : f32
    %div3A_641 = vector.broadcast %log3A_640 : f32 to vector<8x512xf32>
    %div3A_642 = arith.divf %log3A_638, %div3A_641 : vector<8x512xf32>
    %mul3A_643 = arith.constant 0.693147182 : f32
    %mul3A_644 = vector.broadcast %mul3A_643 : f32 to vector<8x512xf32>
    %mul3A_645 = arith.mulf %div3A_642, %mul3A_644 : vector<8x512xf32>
    %add3A_646 = arith.addf %add3A_637, %mul3A_645 : vector<8x512xf32>
    %add3A_647 = arith.addf %add3A_597, %add3A_646 : vector<8x512xf32>
    %get3A_648 = arith.constant 0 : index
    %get3A_649 = arith.constant 13 : index
    %get3A_650 = arith.constant 0 : index
    %get3A_651 = arith.constant 0 : index
    %get3A_652 = vector.load %arg2[%get3A_648, %get3A_649, %get3A_650, %get3A_651] : memref<1x19x32x512xf32, #tpu.memory_space<vmem>>, vector<1x1x32x512xf32>
    %get3A_653 = vector.shape_cast %get3A_652 : vector<1x1x32x512xf32> to vector<32x512xf32>
    %abs3A_654 = math.absf %get3A_653 : vector<32x512xf32>
    %mul3A_655 = arith.constant -1.44269502 : f32
    %mul3A_656 = vector.broadcast %mul3A_655 : f32 to vector<32x512xf32>
    %mul3A_657 = arith.mulf %abs3A_654, %mul3A_656 : vector<32x512xf32>
    %exp23A_658 = math.exp2 %mul3A_657 : vector<32x512xf32>
    %add3A_659 = arith.constant 1.000000e+00 : f32
    %add3A_660 = vector.broadcast %add3A_659 : f32 to vector<32x512xf32>
    %add3A_661 = arith.addf %add3A_660, %exp23A_658 : vector<32x512xf32>
    %slice3A_662 = vector.extract_strided_slice %add3A_661 {offsets = [0, 0], sizes = [8, 512], strides = [1, 1]} : vector<32x512xf32> to vector<8x512xf32>
    %slice3A_663 = vector.extract_strided_slice %add3A_661 {offsets = [8, 0], sizes = [8, 512], strides = [1, 1]} : vector<32x512xf32> to vector<8x512xf32>
    %mul3A_664 = arith.mulf %slice3A_662, %slice3A_663 : vector<8x512xf32>
    %slice3A_665 = vector.extract_strided_slice %add3A_661 {offsets = [16, 0], sizes = [8, 512], strides = [1, 1]} : vector<32x512xf32> to vector<8x512xf32>
    %slice3A_666 = vector.extract_strided_slice %add3A_661 {offsets = [24, 0], sizes = [8, 512], strides = [1, 1]} : vector<32x512xf32> to vector<8x512xf32>
    %mul3A_667 = arith.mulf %slice3A_665, %slice3A_666 : vector<8x512xf32>
    %mul3A_668 = arith.mulf %mul3A_664, %mul3A_667 : vector<8x512xf32>
    %slice3A_669 = vector.extract_strided_slice %get3A_653 {offsets = [0, 0], sizes = [8, 512], strides = [1, 1]} : vector<32x512xf32> to vector<8x512xf32>
    %max3A_670 = arith.constant 0.000000e+00 : f32
    %max3A_671 = vector.broadcast %max3A_670 : f32 to vector<8x512xf32>
    %max3A_672 = arith.maximumf %slice3A_669, %max3A_671 : vector<8x512xf32>
    %slice3A_673 = vector.extract_strided_slice %get3A_653 {offsets = [8, 0], sizes = [8, 512], strides = [1, 1]} : vector<32x512xf32> to vector<8x512xf32>
    %max3A_674 = arith.constant 0.000000e+00 : f32
    %max3A_675 = vector.broadcast %max3A_674 : f32 to vector<8x512xf32>
    %max3A_676 = arith.maximumf %slice3A_673, %max3A_675 : vector<8x512xf32>
    %add3A_677 = arith.addf %max3A_672, %max3A_676 : vector<8x512xf32>
    %slice3A_678 = vector.extract_strided_slice %get3A_653 {offsets = [16, 0], sizes = [8, 512], strides = [1, 1]} : vector<32x512xf32> to vector<8x512xf32>
    %max3A_679 = arith.constant 0.000000e+00 : f32
    %max3A_680 = vector.broadcast %max3A_679 : f32 to vector<8x512xf32>
    %max3A_681 = arith.maximumf %slice3A_678, %max3A_680 : vector<8x512xf32>
    %slice3A_682 = vector.extract_strided_slice %get3A_653 {offsets = [24, 0], sizes = [8, 512], strides = [1, 1]} : vector<32x512xf32> to vector<8x512xf32>
    %max3A_683 = arith.constant 0.000000e+00 : f32
    %max3A_684 = vector.broadcast %max3A_683 : f32 to vector<8x512xf32>
    %max3A_685 = arith.maximumf %slice3A_682, %max3A_684 : vector<8x512xf32>
    %add3A_686 = arith.addf %max3A_681, %max3A_685 : vector<8x512xf32>
    %add3A_687 = arith.addf %add3A_677, %add3A_686 : vector<8x512xf32>
    %log3A_688 = math.log %mul3A_668 : vector<8x512xf32>
    %log3A_689 = arith.constant 2.000000e+00 : f32
    %log3A_690 = math.log %log3A_689 : f32
    %div3A_691 = vector.broadcast %log3A_690 : f32 to vector<8x512xf32>
    %div3A_692 = arith.divf %log3A_688, %div3A_691 : vector<8x512xf32>
    %mul3A_693 = arith.constant 0.693147182 : f32
    %mul3A_694 = vector.broadcast %mul3A_693 : f32 to vector<8x512xf32>
    %mul3A_695 = arith.mulf %div3A_692, %mul3A_694 : vector<8x512xf32>
    %add3A_696 = arith.addf %add3A_687, %mul3A_695 : vector<8x512xf32>
    %add3A_697 = arith.addf %add3A_647, %add3A_696 : vector<8x512xf32>
    %get3A_698 = arith.constant 0 : index
    %get3A_699 = arith.constant 14 : index
    %get3A_700 = arith.constant 0 : index
    %get3A_701 = arith.constant 0 : index
    %get3A_702 = vector.load %arg2[%get3A_698, %get3A_699, %get3A_700, %get3A_701] : memref<1x19x32x512xf32, #tpu.memory_space<vmem>>, vector<1x1x32x512xf32>
    %get3A_703 = vector.shape_cast %get3A_702 : vector<1x1x32x512xf32> to vector<32x512xf32>
    %abs3A_704 = math.absf %get3A_703 : vector<32x512xf32>
    %mul3A_705 = arith.constant -1.44269502 : f32
    %mul3A_706 = vector.broadcast %mul3A_705 : f32 to vector<32x512xf32>
    %mul3A_707 = arith.mulf %abs3A_704, %mul3A_706 : vector<32x512xf32>
    %exp23A_708 = math.exp2 %mul3A_707 : vector<32x512xf32>
    %add3A_709 = arith.constant 1.000000e+00 : f32
    %add3A_710 = vector.broadcast %add3A_709 : f32 to vector<32x512xf32>
    %add3A_711 = arith.addf %add3A_710, %exp23A_708 : vector<32x512xf32>
    %slice3A_712 = vector.extract_strided_slice %add3A_711 {offsets = [0, 0], sizes = [8, 512], strides = [1, 1]} : vector<32x512xf32> to vector<8x512xf32>
    %slice3A_713 = vector.extract_strided_slice %add3A_711 {offsets = [8, 0], sizes = [8, 512], strides = [1, 1]} : vector<32x512xf32> to vector<8x512xf32>
    %mul3A_714 = arith.mulf %slice3A_712, %slice3A_713 : vector<8x512xf32>
    %slice3A_715 = vector.extract_strided_slice %add3A_711 {offsets = [16, 0], sizes = [8, 512], strides = [1, 1]} : vector<32x512xf32> to vector<8x512xf32>
    %slice3A_716 = vector.extract_strided_slice %add3A_711 {offsets = [24, 0], sizes = [8, 512], strides = [1, 1]} : vector<32x512xf32> to vector<8x512xf32>
    %mul3A_717 = arith.mulf %slice3A_715, %slice3A_716 : vector<8x512xf32>
    %mul3A_718 = arith.mulf %mul3A_714, %mul3A_717 : vector<8x512xf32>
    %slice3A_719 = vector.extract_strided_slice %get3A_703 {offsets = [0, 0], sizes = [8, 512], strides = [1, 1]} : vector<32x512xf32> to vector<8x512xf32>
    %max3A_720 = arith.constant 0.000000e+00 : f32
    %max3A_721 = vector.broadcast %max3A_720 : f32 to vector<8x512xf32>
    %max3A_722 = arith.maximumf %slice3A_719, %max3A_721 : vector<8x512xf32>
    %slice3A_723 = vector.extract_strided_slice %get3A_703 {offsets = [8, 0], sizes = [8, 512], strides = [1, 1]} : vector<32x512xf32> to vector<8x512xf32>
    %max3A_724 = arith.constant 0.000000e+00 : f32
    %max3A_725 = vector.broadcast %max3A_724 : f32 to vector<8x512xf32>
    %max3A_726 = arith.maximumf %slice3A_723, %max3A_725 : vector<8x512xf32>
    %add3A_727 = arith.addf %max3A_722, %max3A_726 : vector<8x512xf32>
    %slice3A_728 = vector.extract_strided_slice %get3A_703 {offsets = [16, 0], sizes = [8, 512], strides = [1, 1]} : vector<32x512xf32> to vector<8x512xf32>
    %max3A_729 = arith.constant 0.000000e+00 : f32
    %max3A_730 = vector.broadcast %max3A_729 : f32 to vector<8x512xf32>
    %max3A_731 = arith.maximumf %slice3A_728, %max3A_730 : vector<8x512xf32>
    %slice3A_732 = vector.extract_strided_slice %get3A_703 {offsets = [24, 0], sizes = [8, 512], strides = [1, 1]} : vector<32x512xf32> to vector<8x512xf32>
    %max3A_733 = arith.constant 0.000000e+00 : f32
    %max3A_734 = vector.broadcast %max3A_733 : f32 to vector<8x512xf32>
    %max3A_735 = arith.maximumf %slice3A_732, %max3A_734 : vector<8x512xf32>
    %add3A_736 = arith.addf %max3A_731, %max3A_735 : vector<8x512xf32>
    %add3A_737 = arith.addf %add3A_727, %add3A_736 : vector<8x512xf32>
    %log3A_738 = math.log %mul3A_718 : vector<8x512xf32>
    %log3A_739 = arith.constant 2.000000e+00 : f32
    %log3A_740 = math.log %log3A_739 : f32
    %div3A_741 = vector.broadcast %log3A_740 : f32 to vector<8x512xf32>
    %div3A_742 = arith.divf %log3A_738, %div3A_741 : vector<8x512xf32>
    %mul3A_743 = arith.constant 0.693147182 : f32
    %mul3A_744 = vector.broadcast %mul3A_743 : f32 to vector<8x512xf32>
    %mul3A_745 = arith.mulf %div3A_742, %mul3A_744 : vector<8x512xf32>
    %add3A_746 = arith.addf %add3A_737, %mul3A_745 : vector<8x512xf32>
    %add3A_747 = arith.addf %add3A_697, %add3A_746 : vector<8x512xf32>
    %get3A_748 = arith.constant 0 : index
    %get3A_749 = arith.constant 15 : index
    %get3A_750 = arith.constant 0 : index
    %get3A_751 = arith.constant 0 : index
    %get3A_752 = vector.load %arg2[%get3A_748, %get3A_749, %get3A_750, %get3A_751] : memref<1x19x32x512xf32, #tpu.memory_space<vmem>>, vector<1x1x32x512xf32>
    %get3A_753 = vector.shape_cast %get3A_752 : vector<1x1x32x512xf32> to vector<32x512xf32>
    %abs3A_754 = math.absf %get3A_753 : vector<32x512xf32>
    %mul3A_755 = arith.constant -1.44269502 : f32
    %mul3A_756 = vector.broadcast %mul3A_755 : f32 to vector<32x512xf32>
    %mul3A_757 = arith.mulf %abs3A_754, %mul3A_756 : vector<32x512xf32>
    %exp23A_758 = math.exp2 %mul3A_757 : vector<32x512xf32>
    %add3A_759 = arith.constant 1.000000e+00 : f32
    %add3A_760 = vector.broadcast %add3A_759 : f32 to vector<32x512xf32>
    %add3A_761 = arith.addf %add3A_760, %exp23A_758 : vector<32x512xf32>
    %slice3A_762 = vector.extract_strided_slice %add3A_761 {offsets = [0, 0], sizes = [8, 512], strides = [1, 1]} : vector<32x512xf32> to vector<8x512xf32>
    %slice3A_763 = vector.extract_strided_slice %add3A_761 {offsets = [8, 0], sizes = [8, 512], strides = [1, 1]} : vector<32x512xf32> to vector<8x512xf32>
    %mul3A_764 = arith.mulf %slice3A_762, %slice3A_763 : vector<8x512xf32>
    %slice3A_765 = vector.extract_strided_slice %add3A_761 {offsets = [16, 0], sizes = [8, 512], strides = [1, 1]} : vector<32x512xf32> to vector<8x512xf32>
    %slice3A_766 = vector.extract_strided_slice %add3A_761 {offsets = [24, 0], sizes = [8, 512], strides = [1, 1]} : vector<32x512xf32> to vector<8x512xf32>
    %mul3A_767 = arith.mulf %slice3A_765, %slice3A_766 : vector<8x512xf32>
    %mul3A_768 = arith.mulf %mul3A_764, %mul3A_767 : vector<8x512xf32>
    %slice3A_769 = vector.extract_strided_slice %get3A_753 {offsets = [0, 0], sizes = [8, 512], strides = [1, 1]} : vector<32x512xf32> to vector<8x512xf32>
    %max3A_770 = arith.constant 0.000000e+00 : f32
    %max3A_771 = vector.broadcast %max3A_770 : f32 to vector<8x512xf32>
    %max3A_772 = arith.maximumf %slice3A_769, %max3A_771 : vector<8x512xf32>
    %slice3A_773 = vector.extract_strided_slice %get3A_753 {offsets = [8, 0], sizes = [8, 512], strides = [1, 1]} : vector<32x512xf32> to vector<8x512xf32>
    %max3A_774 = arith.constant 0.000000e+00 : f32
    %max3A_775 = vector.broadcast %max3A_774 : f32 to vector<8x512xf32>
    %max3A_776 = arith.maximumf %slice3A_773, %max3A_775 : vector<8x512xf32>
    %add3A_777 = arith.addf %max3A_772, %max3A_776 : vector<8x512xf32>
    %slice3A_778 = vector.extract_strided_slice %get3A_753 {offsets = [16, 0], sizes = [8, 512], strides = [1, 1]} : vector<32x512xf32> to vector<8x512xf32>
    %max3A_779 = arith.constant 0.000000e+00 : f32
    %max3A_780 = vector.broadcast %max3A_779 : f32 to vector<8x512xf32>
    %max3A_781 = arith.maximumf %slice3A_778, %max3A_780 : vector<8x512xf32>
    %slice3A_782 = vector.extract_strided_slice %get3A_753 {offsets = [24, 0], sizes = [8, 512], strides = [1, 1]} : vector<32x512xf32> to vector<8x512xf32>
    %max3A_783 = arith.constant 0.000000e+00 : f32
    %max3A_784 = vector.broadcast %max3A_783 : f32 to vector<8x512xf32>
    %max3A_785 = arith.maximumf %slice3A_782, %max3A_784 : vector<8x512xf32>
    %add3A_786 = arith.addf %max3A_781, %max3A_785 : vector<8x512xf32>
    %add3A_787 = arith.addf %add3A_777, %add3A_786 : vector<8x512xf32>
    %log3A_788 = math.log %mul3A_768 : vector<8x512xf32>
    %log3A_789 = arith.constant 2.000000e+00 : f32
    %log3A_790 = math.log %log3A_789 : f32
    %div3A_791 = vector.broadcast %log3A_790 : f32 to vector<8x512xf32>
    %div3A_792 = arith.divf %log3A_788, %div3A_791 : vector<8x512xf32>
    %mul3A_793 = arith.constant 0.693147182 : f32
    %mul3A_794 = vector.broadcast %mul3A_793 : f32 to vector<8x512xf32>
    %mul3A_795 = arith.mulf %div3A_792, %mul3A_794 : vector<8x512xf32>
    %add3A_796 = arith.addf %add3A_787, %mul3A_795 : vector<8x512xf32>
    %add3A_797 = arith.addf %add3A_747, %add3A_796 : vector<8x512xf32>
    %get3A_798 = arith.constant 0 : index
    %get3A_799 = arith.constant 16 : index
    %get3A_800 = arith.constant 0 : index
    %get3A_801 = arith.constant 0 : index
    %get3A_802 = vector.load %arg2[%get3A_798, %get3A_799, %get3A_800, %get3A_801] : memref<1x19x32x512xf32, #tpu.memory_space<vmem>>, vector<1x1x32x512xf32>
    %get3A_803 = vector.shape_cast %get3A_802 : vector<1x1x32x512xf32> to vector<32x512xf32>
    %abs3A_804 = math.absf %get3A_803 : vector<32x512xf32>
    %mul3A_805 = arith.constant -1.44269502 : f32
    %mul3A_806 = vector.broadcast %mul3A_805 : f32 to vector<32x512xf32>
    %mul3A_807 = arith.mulf %abs3A_804, %mul3A_806 : vector<32x512xf32>
    %exp23A_808 = math.exp2 %mul3A_807 : vector<32x512xf32>
    %add3A_809 = arith.constant 1.000000e+00 : f32
    %add3A_810 = vector.broadcast %add3A_809 : f32 to vector<32x512xf32>
    %add3A_811 = arith.addf %add3A_810, %exp23A_808 : vector<32x512xf32>
    %slice3A_812 = vector.extract_strided_slice %add3A_811 {offsets = [0, 0], sizes = [8, 512], strides = [1, 1]} : vector<32x512xf32> to vector<8x512xf32>
    %slice3A_813 = vector.extract_strided_slice %add3A_811 {offsets = [8, 0], sizes = [8, 512], strides = [1, 1]} : vector<32x512xf32> to vector<8x512xf32>
    %mul3A_814 = arith.mulf %slice3A_812, %slice3A_813 : vector<8x512xf32>
    %slice3A_815 = vector.extract_strided_slice %add3A_811 {offsets = [16, 0], sizes = [8, 512], strides = [1, 1]} : vector<32x512xf32> to vector<8x512xf32>
    %slice3A_816 = vector.extract_strided_slice %add3A_811 {offsets = [24, 0], sizes = [8, 512], strides = [1, 1]} : vector<32x512xf32> to vector<8x512xf32>
    %mul3A_817 = arith.mulf %slice3A_815, %slice3A_816 : vector<8x512xf32>
    %mul3A_818 = arith.mulf %mul3A_814, %mul3A_817 : vector<8x512xf32>
    %slice3A_819 = vector.extract_strided_slice %get3A_803 {offsets = [0, 0], sizes = [8, 512], strides = [1, 1]} : vector<32x512xf32> to vector<8x512xf32>
    %max3A_820 = arith.constant 0.000000e+00 : f32
    %max3A_821 = vector.broadcast %max3A_820 : f32 to vector<8x512xf32>
    %max3A_822 = arith.maximumf %slice3A_819, %max3A_821 : vector<8x512xf32>
    %slice3A_823 = vector.extract_strided_slice %get3A_803 {offsets = [8, 0], sizes = [8, 512], strides = [1, 1]} : vector<32x512xf32> to vector<8x512xf32>
    %max3A_824 = arith.constant 0.000000e+00 : f32
    %max3A_825 = vector.broadcast %max3A_824 : f32 to vector<8x512xf32>
    %max3A_826 = arith.maximumf %slice3A_823, %max3A_825 : vector<8x512xf32>
    %add3A_827 = arith.addf %max3A_822, %max3A_826 : vector<8x512xf32>
    %slice3A_828 = vector.extract_strided_slice %get3A_803 {offsets = [16, 0], sizes = [8, 512], strides = [1, 1]} : vector<32x512xf32> to vector<8x512xf32>
    %max3A_829 = arith.constant 0.000000e+00 : f32
    %max3A_830 = vector.broadcast %max3A_829 : f32 to vector<8x512xf32>
    %max3A_831 = arith.maximumf %slice3A_828, %max3A_830 : vector<8x512xf32>
    %slice3A_832 = vector.extract_strided_slice %get3A_803 {offsets = [24, 0], sizes = [8, 512], strides = [1, 1]} : vector<32x512xf32> to vector<8x512xf32>
    %max3A_833 = arith.constant 0.000000e+00 : f32
    %max3A_834 = vector.broadcast %max3A_833 : f32 to vector<8x512xf32>
    %max3A_835 = arith.maximumf %slice3A_832, %max3A_834 : vector<8x512xf32>
    %add3A_836 = arith.addf %max3A_831, %max3A_835 : vector<8x512xf32>
    %add3A_837 = arith.addf %add3A_827, %add3A_836 : vector<8x512xf32>
    %log3A_838 = math.log %mul3A_818 : vector<8x512xf32>
    %log3A_839 = arith.constant 2.000000e+00 : f32
    %log3A_840 = math.log %log3A_839 : f32
    %div3A_841 = vector.broadcast %log3A_840 : f32 to vector<8x512xf32>
    %div3A_842 = arith.divf %log3A_838, %div3A_841 : vector<8x512xf32>
    %mul3A_843 = arith.constant 0.693147182 : f32
    %mul3A_844 = vector.broadcast %mul3A_843 : f32 to vector<8x512xf32>
    %mul3A_845 = arith.mulf %div3A_842, %mul3A_844 : vector<8x512xf32>
    %add3A_846 = arith.addf %add3A_837, %mul3A_845 : vector<8x512xf32>
    %add3A_847 = arith.addf %add3A_797, %add3A_846 : vector<8x512xf32>
    %get3A_848 = arith.constant 0 : index
    %get3A_849 = arith.constant 17 : index
    %get3A_850 = arith.constant 0 : index
    %get3A_851 = arith.constant 0 : index
    %get3A_852 = vector.load %arg2[%get3A_848, %get3A_849, %get3A_850, %get3A_851] : memref<1x19x32x512xf32, #tpu.memory_space<vmem>>, vector<1x1x32x512xf32>
    %get3A_853 = vector.shape_cast %get3A_852 : vector<1x1x32x512xf32> to vector<32x512xf32>
    %abs3A_854 = math.absf %get3A_853 : vector<32x512xf32>
    %mul3A_855 = arith.constant -1.44269502 : f32
    %mul3A_856 = vector.broadcast %mul3A_855 : f32 to vector<32x512xf32>
    %mul3A_857 = arith.mulf %abs3A_854, %mul3A_856 : vector<32x512xf32>
    %exp23A_858 = math.exp2 %mul3A_857 : vector<32x512xf32>
    %add3A_859 = arith.constant 1.000000e+00 : f32
    %add3A_860 = vector.broadcast %add3A_859 : f32 to vector<32x512xf32>
    %add3A_861 = arith.addf %add3A_860, %exp23A_858 : vector<32x512xf32>
    %slice3A_862 = vector.extract_strided_slice %add3A_861 {offsets = [0, 0], sizes = [8, 512], strides = [1, 1]} : vector<32x512xf32> to vector<8x512xf32>
    %slice3A_863 = vector.extract_strided_slice %add3A_861 {offsets = [8, 0], sizes = [8, 512], strides = [1, 1]} : vector<32x512xf32> to vector<8x512xf32>
    %mul3A_864 = arith.mulf %slice3A_862, %slice3A_863 : vector<8x512xf32>
    %slice3A_865 = vector.extract_strided_slice %add3A_861 {offsets = [16, 0], sizes = [8, 512], strides = [1, 1]} : vector<32x512xf32> to vector<8x512xf32>
    %slice3A_866 = vector.extract_strided_slice %add3A_861 {offsets = [24, 0], sizes = [8, 512], strides = [1, 1]} : vector<32x512xf32> to vector<8x512xf32>
    %mul3A_867 = arith.mulf %slice3A_865, %slice3A_866 : vector<8x512xf32>
    %mul3A_868 = arith.mulf %mul3A_864, %mul3A_867 : vector<8x512xf32>
    %slice3A_869 = vector.extract_strided_slice %get3A_853 {offsets = [0, 0], sizes = [8, 512], strides = [1, 1]} : vector<32x512xf32> to vector<8x512xf32>
    %max3A_870 = arith.constant 0.000000e+00 : f32
    %max3A_871 = vector.broadcast %max3A_870 : f32 to vector<8x512xf32>
    %max3A_872 = arith.maximumf %slice3A_869, %max3A_871 : vector<8x512xf32>
    %slice3A_873 = vector.extract_strided_slice %get3A_853 {offsets = [8, 0], sizes = [8, 512], strides = [1, 1]} : vector<32x512xf32> to vector<8x512xf32>
    %max3A_874 = arith.constant 0.000000e+00 : f32
    %max3A_875 = vector.broadcast %max3A_874 : f32 to vector<8x512xf32>
    %max3A_876 = arith.maximumf %slice3A_873, %max3A_875 : vector<8x512xf32>
    %add3A_877 = arith.addf %max3A_872, %max3A_876 : vector<8x512xf32>
    %slice3A_878 = vector.extract_strided_slice %get3A_853 {offsets = [16, 0], sizes = [8, 512], strides = [1, 1]} : vector<32x512xf32> to vector<8x512xf32>
    %max3A_879 = arith.constant 0.000000e+00 : f32
    %max3A_880 = vector.broadcast %max3A_879 : f32 to vector<8x512xf32>
    %max3A_881 = arith.maximumf %slice3A_878, %max3A_880 : vector<8x512xf32>
    %slice3A_882 = vector.extract_strided_slice %get3A_853 {offsets = [24, 0], sizes = [8, 512], strides = [1, 1]} : vector<32x512xf32> to vector<8x512xf32>
    %max3A_883 = arith.constant 0.000000e+00 : f32
    %max3A_884 = vector.broadcast %max3A_883 : f32 to vector<8x512xf32>
    %max3A_885 = arith.maximumf %slice3A_882, %max3A_884 : vector<8x512xf32>
    %add3A_886 = arith.addf %max3A_881, %max3A_885 : vector<8x512xf32>
    %add3A_887 = arith.addf %add3A_877, %add3A_886 : vector<8x512xf32>
    %log3A_888 = math.log %mul3A_868 : vector<8x512xf32>
    %log3A_889 = arith.constant 2.000000e+00 : f32
    %log3A_890 = math.log %log3A_889 : f32
    %div3A_891 = vector.broadcast %log3A_890 : f32 to vector<8x512xf32>
    %div3A_892 = arith.divf %log3A_888, %div3A_891 : vector<8x512xf32>
    %mul3A_893 = arith.constant 0.693147182 : f32
    %mul3A_894 = vector.broadcast %mul3A_893 : f32 to vector<8x512xf32>
    %mul3A_895 = arith.mulf %div3A_892, %mul3A_894 : vector<8x512xf32>
    %add3A_896 = arith.addf %add3A_887, %mul3A_895 : vector<8x512xf32>
    %add3A_897 = arith.addf %add3A_847, %add3A_896 : vector<8x512xf32>
    %get3A_898 = arith.constant 0 : index
    %get3A_899 = arith.constant 18 : index
    %get3A_900 = arith.constant 0 : index
    %get3A_901 = arith.constant 0 : index
    %get3A_902 = vector.load %arg2[%get3A_898, %get3A_899, %get3A_900, %get3A_901] : memref<1x19x32x512xf32, #tpu.memory_space<vmem>>, vector<1x1x32x512xf32>
    %get3A_903 = vector.shape_cast %get3A_902 : vector<1x1x32x512xf32> to vector<32x512xf32>
    %abs3A_904 = math.absf %get3A_903 : vector<32x512xf32>
    %mul3A_905 = arith.constant -1.44269502 : f32
    %mul3A_906 = vector.broadcast %mul3A_905 : f32 to vector<32x512xf32>
    %mul3A_907 = arith.mulf %abs3A_904, %mul3A_906 : vector<32x512xf32>
    %exp23A_908 = math.exp2 %mul3A_907 : vector<32x512xf32>
    %add3A_909 = arith.constant 1.000000e+00 : f32
    %add3A_910 = vector.broadcast %add3A_909 : f32 to vector<32x512xf32>
    %add3A_911 = arith.addf %add3A_910, %exp23A_908 : vector<32x512xf32>
    %slice3A_912 = vector.extract_strided_slice %add3A_911 {offsets = [0, 0], sizes = [8, 512], strides = [1, 1]} : vector<32x512xf32> to vector<8x512xf32>
    %slice3A_913 = vector.extract_strided_slice %add3A_911 {offsets = [8, 0], sizes = [8, 512], strides = [1, 1]} : vector<32x512xf32> to vector<8x512xf32>
    %mul3A_914 = arith.mulf %slice3A_912, %slice3A_913 : vector<8x512xf32>
    %slice3A_915 = vector.extract_strided_slice %add3A_911 {offsets = [16, 0], sizes = [8, 512], strides = [1, 1]} : vector<32x512xf32> to vector<8x512xf32>
    %slice3A_916 = vector.extract_strided_slice %add3A_911 {offsets = [24, 0], sizes = [8, 512], strides = [1, 1]} : vector<32x512xf32> to vector<8x512xf32>
    %mul3A_917 = arith.mulf %slice3A_915, %slice3A_916 : vector<8x512xf32>
    %mul3A_918 = arith.mulf %mul3A_914, %mul3A_917 : vector<8x512xf32>
    %slice3A_919 = vector.extract_strided_slice %get3A_903 {offsets = [0, 0], sizes = [8, 512], strides = [1, 1]} : vector<32x512xf32> to vector<8x512xf32>
    %max3A_920 = arith.constant 0.000000e+00 : f32
    %max3A_921 = vector.broadcast %max3A_920 : f32 to vector<8x512xf32>
    %max3A_922 = arith.maximumf %slice3A_919, %max3A_921 : vector<8x512xf32>
    %slice3A_923 = vector.extract_strided_slice %get3A_903 {offsets = [8, 0], sizes = [8, 512], strides = [1, 1]} : vector<32x512xf32> to vector<8x512xf32>
    %max3A_924 = arith.constant 0.000000e+00 : f32
    %max3A_925 = vector.broadcast %max3A_924 : f32 to vector<8x512xf32>
    %max3A_926 = arith.maximumf %slice3A_923, %max3A_925 : vector<8x512xf32>
    %add3A_927 = arith.addf %max3A_922, %max3A_926 : vector<8x512xf32>
    %slice3A_928 = vector.extract_strided_slice %get3A_903 {offsets = [16, 0], sizes = [8, 512], strides = [1, 1]} : vector<32x512xf32> to vector<8x512xf32>
    %max3A_929 = arith.constant 0.000000e+00 : f32
    %max3A_930 = vector.broadcast %max3A_929 : f32 to vector<8x512xf32>
    %max3A_931 = arith.maximumf %slice3A_928, %max3A_930 : vector<8x512xf32>
    %slice3A_932 = vector.extract_strided_slice %get3A_903 {offsets = [24, 0], sizes = [8, 512], strides = [1, 1]} : vector<32x512xf32> to vector<8x512xf32>
    %max3A_933 = arith.constant 0.000000e+00 : f32
    %max3A_934 = vector.broadcast %max3A_933 : f32 to vector<8x512xf32>
    %max3A_935 = arith.maximumf %slice3A_932, %max3A_934 : vector<8x512xf32>
    %add3A_936 = arith.addf %max3A_931, %max3A_935 : vector<8x512xf32>
    %add3A_937 = arith.addf %add3A_927, %add3A_936 : vector<8x512xf32>
    %log3A_938 = math.log %mul3A_918 : vector<8x512xf32>
    %log3A_939 = arith.constant 2.000000e+00 : f32
    %log3A_940 = math.log %log3A_939 : f32
    %div3A_941 = vector.broadcast %log3A_940 : f32 to vector<8x512xf32>
    %div3A_942 = arith.divf %log3A_938, %div3A_941 : vector<8x512xf32>
    %mul3A_943 = arith.constant 0.693147182 : f32
    %mul3A_944 = vector.broadcast %mul3A_943 : f32 to vector<8x512xf32>
    %mul3A_945 = arith.mulf %div3A_942, %mul3A_944 : vector<8x512xf32>
    %add3A_946 = arith.addf %add3A_937, %mul3A_945 : vector<8x512xf32>
    %add3A_947 = arith.addf %add3A_897, %add3A_946 : vector<8x512xf32>
    %swap3A = arith.constant 0 : index
    %swap3A_948 = arith.constant 0 : index
    %swap3A_949 = vector.load %arg4[%swap3A, %swap3A_948] : memref<8x512xf32, #tpu.memory_space<vmem>>, vector<8x512xf32>
    tpu.vector_store %arg4[%swap3A, %swap3A_948], %add3A_947 {strides = array<i32>} : memref<8x512xf32, #tpu.memory_space<vmem>>, vector<8x512xf32>,
    %eq3A_950 = arith.constant 3 : i32
    %eq3A_951 = arith.cmpi eq, %arg0, %eq3A_950 : i32
    %eq3A_952 = arith.constant 15 : i32
    %eq3A_953 = arith.cmpi eq, %arg1, %eq3A_952 : i32
    %and3A_954 = arith.andi %eq3A_951, %eq3A_953 : i1
    %convert_element_type3A_955 = arith.extui %and3A_954 : i1 to i32
    %cond3A_956 = arith.constant 0 : i32
    %cond3A_957 = arith.cmpi ne, %convert_element_type3A_955, %cond3A_956 : i32
    scf.if %cond3A_957 {
      %get3A_958 = arith.constant 0 : index
      %get3A_959 = arith.constant 0 : index
      %get3A_960 = vector.load %arg4[%get3A_958, %get3A_959] : memref<8x512xf32, #tpu.memory_space<vmem>>, vector<8x512xf32>
      %reduce_sum3A = vector.shape_cast %get3A_960 : vector<8x512xf32> to vector<1x8x512xf32>
      %reduce_sum3A_961 = arith.constant dense<0.000000e+00> : vector<1xf32>
      %reduce_sum3A_962 = vector.multi_reduction <add>, %reduce_sum3A, %reduce_sum3A_961 [1, 2] : vector<1x8x512xf32> to vector<1xf32>
      %reduce_sum3A_963 = vector.shape_cast %reduce_sum3A_962 : vector<1xf32> to vector<1x1x1xf32>
      %reduce_sum3A_964 = vector.extract %reduce_sum3A_963[0, 0, 0] : f32 from vector<1x1x1xf32>
      %swap3A_965 = arith.constant 0 : index
      %swap3A_966 = arith.constant 0 : index
      %swap3A_967 = memref.load %arg3[%swap3A_965, %swap3A_966] : memref<1x1xf32, #tpu.memory_space<smem>>
      memref.store %reduce_sum3A_964, %arg3[%swap3A_965, %swap3A_966] : memref<1x1xf32, #tpu.memory_space<smem>>
    } else {
    }
    return
  }
  func.func @transform_0(%arg0: i32, %arg1: i32) -> (i32, i32, i32, i32) {
    %c0_i32 = arith.constant 0 : i32
    %c0_i32_0 = arith.constant 0 : i32
    %c0_i32_1 = arith.constant 0 : i32
    return %arg0, %c0_i32, %arg1, %c0_i32_0 : i32, i32, i32, i32
  }
  func.func @transform_1(%arg0: i32, %arg1: i32) -> (i32, i32) {
    %c0_i32 = arith.constant 0 : i32
    %c0_i32_0 = arith.constant 0 : i32
    %c0_i32_1 = arith.constant 0 : i32
    return %c0_i32, %c0_i32_0 : i32, i32
  }
}

</mosaic_0001>

<sc_bundles>
// kernel: kernel.4.cloned.1.call-start
scs
__scs_entry_jumppad:
0x0: {  	(pc) =	sbr.rel $0x88, $3  }
0x1: {  	(tag) =	ssettag $0x0;
	lr =	simm.s32 $0x1  }
0x2: {  	[smem:$0x3F9F] =	sst lr;
	_ =	strace $0xD0000000  }
0x3: {  	_ = 	snop  }
0x4: {  	_ = 	snop  }
0x5: {  	_ = 	snop  }
0x6: {  	_ = 	snop  }
0x7: {  	_ = 	snop  }
__scs_overlays_trampoline_lowered:
0x8: {  	[smem:$0x3FAE] =	sst s0  }
0x9: {  	[smem:$0x3FAF] =	sst s1  }
0xa: {  	[smem:$0x3FB0] =	sst s2  }
0xb: {  	[smem:$0x3FB1] =	sst s3  }
0xc: {  	[smem:$0x3FB2] =	sst s4  }
0xd: {  	[smem:$0x3FB3] =	sst s5  }
0xe: {  	[smem:$0x3FB4] =	sst s6  }
0xf: {  	[smem:$0x3FB5] =	sst s7  }
0x10: {  	[smem:$0x3FB6] =	sst s8  }
0x11: {  	[smem:$0x3FB7] =	sst s9;
	s0 =	simm.s32 @!p0 $0x0  }
0x12: {  	s1 =	sld [smem:$0x3F9D];
	s0 =	simm.s32 @p0 $0x1  }
0x13: {  	[smem:$0x3FB8] =	sst s0;
	s0 =	simm.s32 @!p1 $0x0  }
0x14: {  	s2 =	sld [smem:$0x3F9C];
	s0 =	simm.s32 @p1 $0x1  }
0x15: {  	[smem:$0x3FB9] =	sst s0;
	s0 =	simm.s32 @!p2 $0x0  }
0x16: {  	s3 =	sld [smem:$0x3FDB];
	s0 =	simm.s32 @p2 $0x1  }
0x17: {  	s4 =	simm.s32 $0x1BF5;
	[smem:$0x3FBB] =	sst s0  }
0x18: {  	s0 =	sld [smem:$0x3F9E];
	_ =	swait.ge [sflag:s4], $0x0  }
0x19: {  	s7 =	sld [smem:$0x3F9F]  }
0x1a: {  	s8 =	sadd.s32 $0xFFFFE003, lr  }
0x1b: {  	s9 =	sadd.s32 $0xFFFFFEF7, lr;
	s5 =	simm.s32 $0xFFFFFFFF;
	p2 =	slt.u32 s8, $0xFFFFF086  }
0x1c: {  	p1 =	slt.u32 s9, $0xF7A;
	s5 =	simm.s32 @!p2 $0x0  }
0x1d: {  	s5 =	simm.s32 @p1 $0x1;
	p0 =	seq.s32 s7, s2  }
0x1e: {  	s7 =	smul.u32 @!p0 $0xF7A, s2;
	p2 =	seq.s32 @!p0 s5, $0x0  }
0x1f: {  	s9 =	smul.u32 $0xF7A, s1;
	s8 =	simm.s32 @!p0 $0x1BF5;
	p2 =	por !p2, p0  }
0x20: {  	[sflag:s8] =	ssyncset.s32 @!p0 $0xFFFFF086;
	s6 =	sadd.s32 @!p0 s3, s7;
	s7 =	simm.s32 @!p0 $0x108  }
0x21: {  	s3 =	sadd.s32 s3, s9;
	s6 =	sadd.s32 @!p0 $0x88, s6;
	s7 =	simm.s32 @p2 $0x1082  }
0x22: {  	[simem:s7], [sflag:s8] =	dma.local @!p0 [hbm:s6], $0xF7A  }
0x23: {  	s9 =	sor.u32 $0xD0000000, s2;
	s6 =	simm.s32 $0x108;
	_ =	swait.ge @!p0 [sflag:s8], $0x0  }
0x24: {  	s3 =	sadd.s32 $0x88, s3;
	s6 =	simm.s32 @!p1 $0x1082;
	[sflag:s4] =	ssyncset.s32 $0xFFFFF086  }
0x25: {  	[simem:s6], [sflag:s4] =	dma.local [hbm:s3], $0xF7A  }
0x26: {  	[smem:$0x3F9F] =	sst s1;
	(tag) =	ssettag s2;
	_ =	strace s9  }
0x27: {  	s1 =	sld [smem:$0x3FAF]  }
0x28: {  	s2 =	sld [smem:$0x3FB0]  }
0x29: {  	s4 =	sld [smem:$0x3FB2]  }
0x2a: {  	p0 =	seq.s32 s5, $0x0;
	s5 =	sld [smem:$0x3FB3]  }
0x2b: {  	s6 =	sld [smem:$0x3FB4]  }
0x2c: {  	s7 =	sld [smem:$0x3FB5]  }
0x2d: {  	s3 =	simm.s32 $0x108;
	s8 =	sld [smem:$0x3FB6]  }
0x2e: {  	s3 =	simm.s32 @!p0 $0x1082;
	s9 =	sld [smem:$0x3FB7]  }
0x2f: {  	lr =	sadd.s32 s0, s3;
	s0 =	sld [smem:$0x3FAE]  }
0x30: {  	s3 =	sld [smem:$0x3FB1]  }
0x31: {  	[smem:$0x3FBA] =	sst s10  }
0x32: {  	s10 =	sld [smem:$0x3FB8];
	_ =	sdelay $0x3  }
0x33: {  	p0 =	seq.s32 s10, $0x1;
	s10 =	sld [smem:$0x3FBA];
	_ =	sdelay $0x3  }
0x34: {  	[smem:$0x3FBA] =	sst s10  }
0x35: {  	s10 =	sld [smem:$0x3FB9];
	_ =	sdelay $0x3  }
0x36: {  	p1 =	seq.s32 s10, $0x1;
	s10 =	sld [smem:$0x3FBA];
	_ =	sdelay $0x3  }
0x37: {  	[smem:$0x3FBA] =	sst s10  }
0x38: {  	s10 =	sld [smem:$0x3FBB]  }
0x39: {  	_ = 	snop;
	(pc) =	sbr.ind lr, $3  }
0x3a: {  	_ = 	snop  }
0x3b: {  	_ = 	snop  }
0x3c: {  	p2 =	seq.s32 s10, $0x1;
	s10 =	sld [smem:$0x3FBA]  }
0x3d: {  	_ =	shalt  }
0x3e: {  	_ =	shalt  }
0x3f: {  	_ =	shalt  }
0x40: {  	_ =	shalt  }
0x41: {  	_ =	shalt  }
0x42: {  	_ =	shalt  }
0x43: {  	_ =	shalt  }
0x44: {  	_ =	shalt  }
0x45: {  	_ =	shalt  }
0x46: {  	_ =	shalt  }
0x47: {  	_ =	shalt  }
0x48: {  	_ =	shalt  }
0x49: {  	_ =	shalt  }
0x4a: {  	_ =	shalt  }
0x4b: {  	_ =	shalt  }
0x4c: {  	_ =	shalt  }
0x4d: {  	_ =	shalt  }
0x4e: {  	_ =	shalt  }
0x4f: {  	_ =	shalt  }
0x50: {  	_ =	shalt  }
0x51: {  	_ =	shalt  }
0x52: {  	_ =	shalt  }
0x53: {  	_ =	shalt  }
0x54: {  	_ =	shalt  }
0x55: {  	_ =	shalt  }
0x56: {  	_ =	shalt  }
0x57: {  	_ =	shalt  }
0x58: {  	_ =	shalt  }
0x59: {  	_ =	shalt  }
0x5a: {  	_ =	shalt  }
0x5b: {  	_ =	shalt  }
0x5c: {  	_ =	shalt  }
0x5d: {  	_ =	shalt  }
0x5e: {  	_ =	shalt  }
0x5f: {  	_ =	shalt  }
0x60: {  	_ =	shalt  }
0x61: {  	_ =	shalt  }
0x62: {  	_ =	shalt  }
0x63: {  	_ =	shalt  }
0x64: {  	_ =	shalt  }
0x65: {  	_ =	shalt  }
0x66: {  	_ =	shalt  }
0x67: {  	_ =	shalt  }
0x68: {  	_ =	shalt  }
0x69: {  	_ =	shalt  }
0x6a: {  	_ =	shalt  }
0x6b: {  	_ =	shalt  }
0x6c: {  	_ =	shalt  }
0x6d: {  	_ =	shalt  }
0x6e: {  	_ =	shalt  }
0x6f: {  	_ =	shalt  }
0x70: {  	_ =	shalt  }
0x71: {  	_ =	shalt  }
0x72: {  	_ =	shalt  }
0x73: {  	_ =	shalt  }
0x74: {  	_ =	shalt  }
0x75: {  	_ =	shalt  }
0x76: {  	_ =	shalt  }
0x77: {  	_ =	shalt  }
0x78: {  	_ =	shalt  }
0x79: {  	_ =	shalt  }
0x7a: {  	_ =	shalt  }
0x7b: {  	_ =	shalt  }
0x7c: {  	_ =	shalt  }
0x7d: {  	_ =	shalt  }
0x7e: {  	_ =	shalt  }
0x7f: {  	_ =	shalt  }
0x80: {  	_ =	shalt  }
0x81: {  	_ =	shalt  }
0x82: {  	_ =	shalt  }
0x83: {  	_ =	shalt  }
0x84: {  	_ =	shalt  }
0x85: {  	_ =	shalt  }
0x86: {  	_ =	shalt  }
0x87: {  	_ =	shalt  }
.Lfunc_end0:
.L_simem_size_0:
called_computation_lowered:
.L_overlay_start_0:
0x88: {  	s2 =	sld [smem:$0x3FD9]  }
0x89: {  	s3 =	sld [smem:$0x3FFE];
	_ =	sdelay $0x1  }
0x8a: {  	s1 =	srdreg.scid  }
0x8b: {  	s0 =	sand.u32 $0x1, s1  }
0x8c: {  	s17 =	sshll.u32 s0, $0xA;
	s2 =	sadd.s32 s3, s2  }
0x8d: {  	s2 =	sadd.s32 s2, s17  }
0x8e: {  	[smem:$0x3FC6] =	sst s2  }
0x8f: {  	_ = 	snop  }
0x90: {  	s2 =	sld [smem:$0x3FC9];
	(tm) =	ssettm $0x1  }
0x91: {  	s18 =	sld [smem:$0x3FFB];
	_ =	sdelay $0x3  }
0x92: {  	_ =	strace s18  }
0x93: {  	s3 =	sld [smem:$0x3FFC];
	_ =	sdelay $0x3  }
0x94: {  	_ =	strace s3  }
0x95: {  	s3 =	sld [smem:$0x3FFD];
	_ =	sdelay $0x3  }
0x96: {  	_ =	strace s3  }
0x97: {  	_ =	strace $0x8FFFFFFF  }
0x98: {  	s19 =	sld [smem:$0x3FDB];
	_ =	sdelay $0x1  }
0x99: {  	s4 =	simm.s32 $_scs_section_size  }
0x9a: {  	s5 =	simm.s32 $_size__tile_overlayer_lowered;
	s6 =	simm.s32 $_tile_overlayer_lowered  }
0x9b: {  	s22 =	simm.s32 $0x1BFF;
	s21 =	sshll.u32 s6, $0x1;
	s3 =	sadd.s32 s4, s19  }
0x9c: {  	s7 =	simm.s32 $0x0;
	s20 =	sshll.u32 s5, $0x1;
	s5 =	sadd.s32 s21, s3  }
0x9d: {  	[timem:s7], [sflag:s22] =	dma.local [hbm:s5], s20  }
0x9e: {  	_ =	swait.ge [sflag:s22], s20  }
0x9f: {  	s4 =	ssub.s32 $0x0, s20;
	[sflag:s22] =	ssyncset.done $0x0  }
0xa0: {  	[sflag:s22] =	ssyncadd.s32 s4;
	_ =	sdelay $0x1  }
0xa1: {  	s23 =	simm.s32 $0x1B8B  }
0xa2: {  	_ =	swait.ge [sflag:s23], $0x1  }
0xa3: {  	[sflag:s23] =	ssyncset.done $0x0  }
0xa4: {  	s25 =	simm.s32 $0x1B8E;
	s24 =	sld [smem:$0x3FFE];
	[sflag:s23] =	ssyncadd.s32 $0xFFFFFFFF  }
0xa5: {  	s26 =	simm.s32 $execute0_lowered;
	[smem:$0x3FD2] =	sst s25  }
0xa6: {  	s5 =	sshll.u32 s26, $0x1;
	_ =	strace $0x80000046;
	[dreg:$0x1] =	wrdreg $0xFFFFFFFF  }
0xa7: {  	s28 =	simm.s32 $_size_execute0_lowered;
	s3 =	sadd.s32 s3, s5;
	[dreg:$0x0] =	wrdreg $0x0  }
0xa8: {  	s5 =	sshll.u32 s28, $0x1;
	[dreg:$0x2] =	wrdreg s3  }
0xa9: {  	[dreg:$0x3] =	wrdreg s5  }
0xaa: {  	[dreg:$0x4] =	wrdreg $0xC0  }
0xab: {  	_ =	task [dreg:s7], $0x5FFFF  }
0xac: {  	[dreg:$0x1] =	wrdreg $0xFFFFFFFF  }
0xad: {  	[dreg:$0x0] =	wrdreg $0x60  }
0xae: {  	[dreg:$0x2] =	wrdreg s2  }
0xaf: {  	[dreg:$0x3] =	wrdreg s24  }
0xb0: {  	[dreg:$0x4] =	wrdreg $0x9  }
0xb1: {  	_ =	task.clear_ibuf [dreg:s7], $0x5FFFF;
	_ =	strace $0x90000046  }
0xb2: {  	s29 =	simm.s32 $0x9;
	_ =	strace $0x80000048  }
0xb3: {  	_ =	swait.ge [sflag:s29], $0x1  }
0xb4: {  	[sflag:s29] =	ssyncadd.s32 $0xFFFFFFFF  }
0xb5: {  	_ =	strace $0x90000048  }
0xb6: {  	_ =	sfence  }
0xb7: {  	s30 =	sld [smem:$0x0];
	_ =	sdelay $0x2  }
0xb8: {  	s31 =	sshll.u32 s1, $0xD;
	s1 =	sshrl.u32 s1, $0x2  }
0xb9: {  	s3 =	sand.u32 $0x4000, s31;
	s1 =	sadd.s32 s1, s30  }
0xba: {  	s0 =	sor.u32 s3, s0;
	s1 =	sshll.u32 s1, $0x11  }
0xbb: {  	s0 =	sor.u32 s1, s0  }
0xbc: {  	s0 =	sadd.s32 $0x8F2B, s0  }
0xbd: {  	[sflag:s0] =	ssyncadd.remote.s32 $0x1  }
0xbe: {  	_ =	sfence.sel $0xFFFF  }
0xbf: {  	[dreg:$0x0] =	wrdreg $0xFFFFFFFF;
	(pc) =	sbr.abs _section_cstart, $3  }
0xc0: {  	[dreg:$0x1] =	wrdreg $0xFFFFFFFF  }
0xc1: {  	_ =	task.clear_ibuf [dreg:s7], $0x2FFFF;
	_ =	strace $0x9FFFFFFF  }
0xc2: {  	(tm) =	ssettm $0x7FFFFFFF  }
0xc3: {  	_ =	shalt  }
tec
execute0_lowered:
.L_overlay_start_1:
0x0: {  	(tag) =	ssettag $0x1  }
0x1: {  	s1 =	rddreg [dreg:$0x0];
	s0 =	srdreg.scid  }
0x2: {  	s5 =	rddreg [dreg:$0x1];
	s3 =	simm.s32 $0x0;
	s9 =	simm.s32 $0x1  }
0x3: {  	s18 =	simm.s32 $0x5;
	s19 =	simm.s32 $0x6;
	s0 =	sand.u32 $0x1, s0  }
.Ltmp0:
0x4: {  	s20 =	simm.s32 $0x2;
	s2 =	ssub.s32 $0x2, s0;
	(pc) =	sbr.rel .LBB2_1-.Ltmp0, $4  }
0x5: {  	s21 =	simm.s32 $0x3;
	s23 =	simm.s32 $0x7;
	s4 =	sshrl.u32 s2, $0x1  }
0x6: {  	[smem:$0x7FF] =	sst s3;
	s5 =	sadd.s32 $0x200, s5;
	s2 =	ssub.s32 s2, s4  }
0x7: {  	_ =	strace $0x80000047;
	s6 =	sshll.u32 s0, $0x4;
	s31 =	smax.u32 s2, $0x1  }
0x8: {  	v0 =	vlaneseq.u32;
	v1 =	vimm.f32 $0.0e+00;
	s4 =	stileid.u32;
	s2 =	simm.s32 $0x0;
	[dreg:$0x4] =	wrdreg s31  }
.LBB2_9:
0x9: {  	s2 =	rddreg [dreg:$0x5]  }
0xa: {  	s0 =	rddreg [dreg:$0x4];
	s2 =	sadd.s32 $0x1, s2  }
0xb: {  	p0 =	sne.s32 s2, s0  }
.Ltmp1:
0xc: {  	_ = 	snop;
	(pc) =	sbr.rel @!p0 .LBB2_10-.Ltmp1, $1  }
0xd: {  	_ =	sdelay $0x3  }
.LBB2_1:
0xe: {  	[dreg:$0x5] =	wrdreg s2  }
.Ltmp2:
0xf: {  	s0 =	rddreg [dreg:$0x1];
	s31 =	simm.s32 $0x10A00;
	(pc) =	sbr.rel .LBB2_2-.Ltmp2, $4  }
0x10: {  	[tilespmem:s31], [sflag:$0x1] =	stream.linear.gather [hbm4b:s0+s3], $0x100, $0x38;
	[tilespmem:$0x10B00] =	vst v63  }
0x11: {  	_ =	swait.ge [sflag:s9], $0x100  }
0x12: {  	[sflag:s9] =	ssyncset.done $0x0  }
0x13: {  	s24 =	simm.s32 $0x0;
	[sflag:s9] =	ssyncadd.s32 $0xFFFFFF00  }
.LBB2_8:
0x14: {  	s24 =	sadd.s32 $0x1, s24  }
0x15: {  	p0 =	sne.s32 s24, $0x3  }
.Ltmp3:
0x16: {  	_ = 	snop;
	(pc) =	sbr.rel @!p0 .LBB2_9-.Ltmp3, $1  }
0x17: {  	_ =	sdelay $0x3  }
.LBB2_2:
0x18: {  	s0 =	sshll.u32 s24, $0x5  }
0x19: {  	s0 =	sor.u32 s0, s6  }
0x1a: {  	s25 =	sor.u32 s4, s0  }
0x1b: {  	p0 =	sgt.u32 s25, $0x4B  }
.Ltmp4:
0x1c: {  	_ = 	snop;
	(pc) =	sbr.rel @p0 .LBB2_8-.Ltmp4, $1  }
0x1d: {  	_ =	sdelay $0x3  }
0x1e: {  	s0 =	sshll.u32 s25, $0x1  }
0x1f: {  	s0 =	sand.u32 $0x3FFFFFFE, s0  }
0x20: {  	v2 =	vld [tilespmem:s0+$0x10A00];
	_ =	sdelay $0x4  }
0x21: {  	v2 =	vmul.f32 $5.120000000e+02, v2;
	_ =	sdelay $0x1  }
0x22: {  	v2 =	vtrunc.f32 v2  }
0x23: {  	v2 =	vcvt.f32.s32 v2;
	_ =	sdelay $0x1  }
0x24: {  	(v2sf) =	vpush v2, $0x0  }
0x25: {  	(v2sf) =	vpush v2, $0x1;
	_ =	sdelay $0xd  }
0x26: {  	s26 =	spop (v2sf)  }
0x27: {  	s2 =	spop (v2sf);
	s0 =	sadd.s32 $0xFFFFFFD8, s26  }
0x28: {  	s7 =	smul.u32 $0x1B, s25;
	p0 =	sgt.s32 s0, $0x0;
	s29 =	sadd.s32 $0xFFFFFFD8, s2  }
0x29: {  	p1 =	slt.s32 s0, $0x1;
	p2 =	sgt.s32 s29, $0x0;
	s0 =	simm.s32 @!p0 $0x0  }
0x2a: {  	p3 =	slt.s32 s29, $0x1;
	s29 =	simm.s32 @!p2 $0x0;
	s8 =	sand.u32 $0x7, s0  }
0x2b: {  	s11 =	simm.s32 $0xFFFFFFFF;
	s10 =	sand.u32 $0x7F, s29;
	p5 =	sne.s32 s8, $0x0  }
0x2c: {  	s7 =	sshrl.u32 s7, $0x9;
	p6 =	sne.s32 s10, $0x0;
	p0 =	por !p1, !p5  }
0x2d: {  	s10 =	simm.s32 $0xFFFFFFFF;
	p4 =	por !p3, !p6;
	p0 =	por !p0, !p0  }
0x2e: {  	s7 =	sand.u32 $0x7F, s7;
	s10 =	simm.s32 @!p0 $0x0;
	p0 =	por !p4, !p4  }
0x2f: {  	s15 =	smul.u32 $0x13, s7;
	s10 =	sshll.u32 s10, $0x3;
	s11 =	simm.s32 @!p0 $0x0  }
0x30: {  	s7 =	smul.u32 $0xE40000, s7;
	s0 =	sadd.s32 s0, s10;
	s16 =	sshll.u32 s11, $0x7  }
0x31: {  	s8 =	ssub.s32 s25, s15;
	s28 =	sand.u32 $0xFFFFFFF8, s0;
	s17 =	sadd.s32 s29, s16  }
0x32: {  	s8 =	sand.u32 $0xFF, s8;
	p0 =	slt.s32 s28, $0x1A8;
	s0 =	sand.u32 $0xFFFFFF80, s17  }
0x33: {  	s8 =	sshll.u32 s8, $0x12;
	s28 =	simm.s32 @!p0 $0x1A8;
	p0 =	slt.s32 s0, $0x180  }
0x34: {  	s7 =	sadd.s32 s8, s7;
	s0 =	simm.s32 @!p0 $0x180;
	s22 =	sshll.u32 s28, $0x9  }
0x35: {  	s7 =	sadd.s32 s22, s7;
	s8 =	sshll.u32 s0, $0x3  }
0x36: {  	s30 =	sadd.s32 s8, s7  }
0x37: {  	s10 =	sshrl.u32 s30, $0x3  }
0x38: {  	s10 =	sadd.s32 s1, s10  }
0x39: {  	[tilespmem:s3], [sflag:$0x1] =	stream.linear.gather [hbm4b:s10+s3], $0x400, $0x38;
	[tilespmem:$0x10B00] =	vst v63  }
0x3a: {  	s12 =	simm.s32 $0x800;
	s31 =	sadd.s32 $0x200, s10  }
0x3b: {  	[tilespmem:s12], [sflag:$0x1] =	stream.linear.gather [hbm4b:s31+s3], $0x400, $0x38;
	[tilespmem:$0x10B00] =	vst v63  }
0x3c: {  	s14 =	simm.s32 $0x1000;
	s13 =	sadd.s32 $0x400, s10  }
0x3d: {  	[tilespmem:s14], [sflag:$0x1] =	stream.linear.gather [hbm4b:s13+s3], $0x400, $0x38;
	[tilespmem:$0x10B00] =	vst v63  }
0x3e: {  	s16 =	simm.s32 $0x1800;
	s15 =	sadd.s32 $0x600, s10  }
0x3f: {  	[tilespmem:s16], [sflag:$0x1] =	stream.linear.gather [hbm4b:s15+s3], $0x400, $0x38;
	[tilespmem:$0x10B00] =	vst v63  }
0x40: {  	s22 =	simm.s32 $0x2000;
	s17 =	sadd.s32 $0x800, s10  }
0x41: {  	[tilespmem:s22], [sflag:$0x1] =	stream.linear.gather [hbm4b:s17+s3], $0x400, $0x38;
	[tilespmem:$0x10B00] =	vst v63  }
0x42: {  	s30 =	sadd.s32 $0xA00, s10;
	s31 =	simm.s32 $0x2800  }
0x43: {  	[tilespmem:s31], [sflag:$0x1] =	stream.linear.gather [hbm4b:s30+s3], $0x400, $0x38;
	[tilespmem:$0x10B00] =	vst v63  }
0x44: {  	s13 =	sadd.s32 $0xC00, s10;
	s14 =	simm.s32 $0x3000  }
0x45: {  	[tilespmem:s14], [sflag:$0x1] =	stream.linear.gather [hbm4b:s13+s3], $0x400, $0x38;
	[tilespmem:$0x10B00] =	vst v63  }
0x46: {  	s15 =	sadd.s32 $0xE00, s10;
	s16 =	simm.s32 $0x3800  }
0x47: {  	[tilespmem:s16], [sflag:$0x1] =	stream.linear.gather [hbm4b:s15+s3], $0x400, $0x38;
	[tilespmem:$0x10B00] =	vst v63  }
0x48: {  	s17 =	sadd.s32 $0x1000, s10;
	s22 =	simm.s32 $0x4000  }
0x49: {  	[tilespmem:s22], [sflag:$0x1] =	stream.linear.gather [hbm4b:s17+s3], $0x400, $0x38;
	[tilespmem:$0x10B00] =	vst v63  }
0x4a: {  	s30 =	sadd.s32 $0x1200, s10;
	s31 =	simm.s32 $0x4800  }
0x4b: {  	[tilespmem:s31], [sflag:$0x1] =	stream.linear.gather [hbm4b:s30+s3], $0x400, $0x38;
	[tilespmem:$0x10B00] =	vst v63  }
0x4c: {  	s10 =	sadd.s32 $0x1400, s10;
	s13 =	simm.s32 $0x5000  }
0x4d: {  	[tilespmem:s13], [sflag:$0x1] =	stream.linear.gather [hbm4b:s10+s3], $0x400, $0x38;
	[tilespmem:$0x10B00] =	vst v63  }
0x4e: {  	s10 =	sadd.s32 $0x4C0000, s7  }
0x4f: {  	s14 =	sadd.s32 s8, s10  }
0x50: {  	s11 =	sshrl.u32 s14, $0x3  }
0x51: {  	s15 =	simm.s32 $0x5800;
	s11 =	sadd.s32 s1, s11  }
0x52: {  	[tilespmem:s15], [sflag:$0x2] =	stream.linear.gather [hbm4b:s11+s3], $0x400, $0x38;
	[tilespmem:$0x10B00] =	vst v63  }
0x53: {  	s13 =	simm.s32 $0x6000;
	s16 =	sadd.s32 $0x200, s11  }
0x54: {  	[tilespmem:s13], [sflag:$0x2] =	stream.linear.gather [hbm4b:s16+s3], $0x400, $0x38;
	[tilespmem:$0x10B00] =	vst v63  }
0x55: {  	s22 =	simm.s32 $0x6800;
	s17 =	sadd.s32 $0x400, s11  }
0x56: {  	[tilespmem:s22], [sflag:$0x2] =	stream.linear.gather [hbm4b:s17+s3], $0x400, $0x38;
	[tilespmem:$0x10B00] =	vst v63  }
0x57: {  	s31 =	simm.s32 $0x7000;
	s30 =	sadd.s32 $0x600, s11  }
0x58: {  	[tilespmem:s31], [sflag:$0x2] =	stream.linear.gather [hbm4b:s30+s3], $0x400, $0x38;
	[tilespmem:$0x10B00] =	vst v63  }
0x59: {  	s14 =	simm.s32 $0x7800;
	s13 =	sadd.s32 $0x800, s11  }
0x5a: {  	[tilespmem:s14], [sflag:$0x2] =	stream.linear.gather [hbm4b:s13+s3], $0x400, $0x38;
	[tilespmem:$0x10B00] =	vst v63  }
0x5b: {  	s15 =	sadd.s32 $0xA00, s11;
	s16 =	simm.s32 $0x8000  }
0x5c: {  	[tilespmem:s16], [sflag:$0x2] =	stream.linear.gather [hbm4b:s15+s3], $0x400, $0x38;
	[tilespmem:$0x10B00] =	vst v63  }
0x5d: {  	s17 =	sadd.s32 $0xC00, s11;
	s22 =	simm.s32 $0x8800  }
0x5e: {  	[tilespmem:s22], [sflag:$0x2] =	stream.linear.gather [hbm4b:s17+s3], $0x400, $0x38;
	[tilespmem:$0x10B00] =	vst v63  }
0x5f: {  	s30 =	sadd.s32 $0xE00, s11;
	s31 =	simm.s32 $0x9000  }
0x60: {  	[tilespmem:s31], [sflag:$0x2] =	stream.linear.gather [hbm4b:s30+s3], $0x400, $0x38;
	[tilespmem:$0x10B00] =	vst v63  }
0x61: {  	s13 =	sadd.s32 $0x1000, s11;
	s14 =	simm.s32 $0x9800  }
0x62: {  	[tilespmem:s14], [sflag:$0x2] =	stream.linear.gather [hbm4b:s13+s3], $0x400, $0x38;
	[tilespmem:$0x10B00] =	vst v63  }
0x63: {  	s15 =	sadd.s32 $0x1200, s11;
	s16 =	simm.s32 $0xA000  }
0x64: {  	[tilespmem:s16], [sflag:$0x2] =	stream.linear.gather [hbm4b:s15+s3], $0x400, $0x38;
	[tilespmem:$0x10B00] =	vst v63  }
0x65: {  	s11 =	sadd.s32 $0x1400, s11;
	s17 =	simm.s32 $0xA800  }
0x66: {  	[tilespmem:s17], [sflag:$0x2] =	stream.linear.gather [hbm4b:s11+s3], $0x400, $0x38;
	[tilespmem:$0x10B00] =	vst v63  }
0x67: {  	s11 =	sadd.s32 $0x980000, s7  }
0x68: {  	s22 =	sadd.s32 s8, s11  }
0x69: {  	s12 =	sshrl.u32 s22, $0x3  }
0x6a: {  	s30 =	simm.s32 $0xB000;
	s12 =	sadd.s32 s1, s12  }
0x6b: {  	[tilespmem:s30], [sflag:$0x3] =	stream.linear.gather [hbm4b:s12+s3], $0x400, $0x38;
	[tilespmem:$0x10B00] =	vst v63  }
0x6c: {  	s14 =	simm.s32 $0xB800;
	s31 =	sadd.s32 $0x200, s12  }
0x6d: {  	[tilespmem:s14], [sflag:$0x3] =	stream.linear.gather [hbm4b:s31+s3], $0x400, $0x38;
	[tilespmem:$0x10B00] =	vst v63  }
0x6e: {  	s16 =	simm.s32 $0xC000;
	s15 =	sadd.s32 $0x400, s12  }
0x6f: {  	[tilespmem:s16], [sflag:$0x3] =	stream.linear.gather [hbm4b:s15+s3], $0x400, $0x38;
	[tilespmem:$0x10B00] =	vst v63  }
0x70: {  	s22 =	simm.s32 $0xC800;
	s17 =	sadd.s32 $0x600, s12  }
0x71: {  	[tilespmem:s22], [sflag:$0x3] =	stream.linear.gather [hbm4b:s17+s3], $0x400, $0x38;
	[tilespmem:$0x10B00] =	vst v63  }
0x72: {  	s2 =	sadd.s32 $0x28, s2;
	s30 =	sadd.s32 $0x800, s12;
	s31 =	simm.s32 $0xD000  }
0x73: {  	[tilespmem:s31], [sflag:$0x3] =	stream.linear.gather [hbm4b:s30+s3], $0x400, $0x38;
	[tilespmem:$0x10B00] =	vst v63  }
0x74: {  	p5 =	slt.s32 s2, $0x1;
	s15 =	sadd.s32 $0xA00, s12;
	s16 =	simm.s32 $0xD800  }
0x75: {  	[tilespmem:s16], [sflag:$0x3] =	stream.linear.gather [hbm4b:s15+s3], $0x400, $0x38;
	[tilespmem:$0x10B00] =	vst v63  }
0x76: {  	p0 =	slt.s32 s2, $0x1FF;
	s17 =	sadd.s32 $0xC00, s12;
	s22 =	simm.s32 $0xE000  }
0x77: {  	[tilespmem:s22], [sflag:$0x3] =	stream.linear.gather [hbm4b:s17+s3], $0x400, $0x38;
	[tilespmem:$0x10B00] =	vst v63  }
0x78: {  	s2 =	simm.s32 @!p0 $0x1FF;
	s30 =	sadd.s32 $0xE00, s12;
	s31 =	simm.s32 $0xE800  }
0x79: {  	[tilespmem:s31], [sflag:$0x3] =	stream.linear.gather [hbm4b:s30+s3], $0x400, $0x38;
	[tilespmem:$0x10B00] =	vst v63  }
0x7a: {  	s14 =	sadd.s32 $0x1000, s12;
	s15 =	simm.s32 $0xF000;
	s16 =	sadd.s32 $0x1200, s12  }
0x7b: {  	[tilespmem:s15], [sflag:$0x3] =	stream.linear.gather [hbm4b:s14+s3], $0x400, $0x38;
	[tilespmem:$0x10B00] =	vst v63  }
0x7c: {  	s12 =	sadd.s32 $0x1400, s12;
	s17 =	simm.s32 $0xF800;
	s30 =	sand.u32 $0x7F, s2  }
0x7d: {  	[tilespmem:s17], [sflag:$0x3] =	stream.linear.gather [hbm4b:s16+s3], $0x400, $0x38;
	[tilespmem:$0x10B00] =	vst v63  }
0x7e: {  	s22 =	simm.s32 $0x10000;
	s31 =	sshra.s32 s2, $0x1F;
	p6 =	sne.s32 s30, $0x0  }
0x7f: {  	[tilespmem:s22], [sflag:$0x3] =	stream.linear.gather [hbm4b:s12+s3], $0x400, $0x38;
	[tilespmem:$0x10B00] =	vst v63  }
0x80: {  	p0 =	por !p5, !p6;
	s12 =	sshrl.u32 s31, $0x19  }
0x81: {  	p0 =	por !p0, !p0;
	s2 =	sadd.s32 s12, s2;
	s12 =	simm.s32 $0x1  }
0x82: {  	s2 =	sshrl.u32 s2, $0x7;
	s12 =	simm.s32 @!p0 $0x0  }
0x83: {  	s2 =	ssub.s32 s2, s12  }
0x84: {  	s2 =	sshll.u32 s2, $0x7  }
0x85: {  	p0 =	sle.s32 s2, s0  }
.Ltmp5:
0x86: {  	_ = 	snop;
	(pc) =	sbr.rel @p0 .LBB2_5-.Ltmp5, $1  }
0x87: {  	_ =	sdelay $0x3  }
0x88: {  	s2 =	sadd.s32 $0x400, s8  }
0x89: {  	s7 =	sadd.s32 s2, s7  }
0x8a: {  	s7 =	sshrl.u32 s7, $0x3  }
0x8b: {  	s30 =	simm.s32 $0x400;
	s7 =	sadd.s32 s1, s7  }
0x8c: {  	[tilespmem:s30], [sflag:$0x4] =	stream.linear.gather [hbm4b:s7+s3], $0x400, $0x38;
	[tilespmem:$0x10B00] =	vst v63  }
0x8d: {  	s12 =	simm.s32 $0xC00;
	s31 =	sadd.s32 $0x200, s7  }
0x8e: {  	[tilespmem:s12], [sflag:$0x4] =	stream.linear.gather [hbm4b:s31+s3], $0x400, $0x38;
	[tilespmem:$0x10B00] =	vst v63  }
0x8f: {  	s14 =	simm.s32 $0x1400;
	s13 =	sadd.s32 $0x400, s7  }
0x90: {  	[tilespmem:s14], [sflag:$0x4] =	stream.linear.gather [hbm4b:s13+s3], $0x400, $0x38;
	[tilespmem:$0x10B00] =	vst v63  }
0x91: {  	s16 =	simm.s32 $0x1C00;
	s15 =	sadd.s32 $0x600, s7  }
0x92: {  	[tilespmem:s16], [sflag:$0x4] =	stream.linear.gather [hbm4b:s15+s3], $0x400, $0x38;
	[tilespmem:$0x10B00] =	vst v63  }
0x93: {  	s22 =	simm.s32 $0x2400;
	s17 =	sadd.s32 $0x800, s7  }
0x94: {  	[tilespmem:s22], [sflag:$0x4] =	stream.linear.gather [hbm4b:s17+s3], $0x400, $0x38;
	[tilespmem:$0x10B00] =	vst v63  }
0x95: {  	s30 =	sadd.s32 $0xA00, s7;
	s31 =	simm.s32 $0x2C00  }
0x96: {  	[tilespmem:s31], [sflag:$0x4] =	stream.linear.gather [hbm4b:s30+s3], $0x400, $0x38;
	[tilespmem:$0x10B00] =	vst v63  }
0x97: {  	s12 =	sadd.s32 $0xC00, s7;
	s13 =	simm.s32 $0x3400  }
0x98: {  	[tilespmem:s13], [sflag:$0x4] =	stream.linear.gather [hbm4b:s12+s3], $0x400, $0x38;
	[tilespmem:$0x10B00] =	vst v63  }
0x99: {  	s14 =	sadd.s32 $0xE00, s7;
	s15 =	simm.s32 $0x3C00  }
0x9a: {  	[tilespmem:s15], [sflag:$0x4] =	stream.linear.gather [hbm4b:s14+s3], $0x400, $0x38;
	[tilespmem:$0x10B00] =	vst v63  }
0x9b: {  	s16 =	sadd.s32 $0x1000, s7;
	s17 =	simm.s32 $0x4400  }
0x9c: {  	[tilespmem:s17], [sflag:$0x4] =	stream.linear.gather [hbm4b:s16+s3], $0x400, $0x38;
	[tilespmem:$0x10B00] =	vst v63  }
0x9d: {  	s22 =	sadd.s32 $0x1200, s7;
	s30 =	simm.s32 $0x4C00  }
0x9e: {  	[tilespmem:s30], [sflag:$0x4] =	stream.linear.gather [hbm4b:s22+s3], $0x400, $0x38;
	[tilespmem:$0x10B00] =	vst v63  }
0x9f: {  	s10 =	sadd.s32 s2, s10;
	s7 =	sadd.s32 $0x1400, s7;
	s31 =	simm.s32 $0x5400  }
0xa0: {  	[tilespmem:s31], [sflag:$0x4] =	stream.linear.gather [hbm4b:s7+s3], $0x400, $0x38;
	[tilespmem:$0x10B00] =	vst v63  }
0xa1: {  	s7 =	sshrl.u32 s10, $0x3  }
0xa2: {  	s12 =	simm.s32 $0x5C00;
	s7 =	sadd.s32 s1, s7  }
0xa3: {  	[tilespmem:s12], [sflag:$0x5] =	stream.linear.gather [hbm4b:s7+s3], $0x400, $0x38;
	[tilespmem:$0x10B00] =	vst v63  }
0xa4: {  	s14 =	simm.s32 $0x6400;
	s13 =	sadd.s32 $0x200, s7  }
0xa5: {  	[tilespmem:s14], [sflag:$0x5] =	stream.linear.gather [hbm4b:s13+s3], $0x400, $0x38;
	[tilespmem:$0x10B00] =	vst v63  }
0xa6: {  	s16 =	simm.s32 $0x6C00;
	s15 =	sadd.s32 $0x400, s7  }
0xa7: {  	[tilespmem:s16], [sflag:$0x5] =	stream.linear.gather [hbm4b:s15+s3], $0x400, $0x38;
	[tilespmem:$0x10B00] =	vst v63  }
0xa8: {  	s22 =	simm.s32 $0x7400;
	s17 =	sadd.s32 $0x600, s7  }
0xa9: {  	[tilespmem:s22], [sflag:$0x5] =	stream.linear.gather [hbm4b:s17+s3], $0x400, $0x38;
	[tilespmem:$0x10B00] =	vst v63  }
0xaa: {  	s31 =	simm.s32 $0x7C00;
	s30 =	sadd.s32 $0x800, s7  }
0xab: {  	[tilespmem:s31], [sflag:$0x5] =	stream.linear.gather [hbm4b:s30+s3], $0x400, $0x38;
	[tilespmem:$0x10B00] =	vst v63  }
0xac: {  	s10 =	sadd.s32 $0xA00, s7;
	s12 =	simm.s32 $0x8400  }
0xad: {  	[tilespmem:s12], [sflag:$0x5] =	stream.linear.gather [hbm4b:s10+s3], $0x400, $0x38;
	[tilespmem:$0x10B00] =	vst v63  }
0xae: {  	s13 =	sadd.s32 $0xC00, s7;
	s14 =	simm.s32 $0x8C00  }
0xaf: {  	[tilespmem:s14], [sflag:$0x5] =	stream.linear.gather [hbm4b:s13+s3], $0x400, $0x38;
	[tilespmem:$0x10B00] =	vst v63  }
0xb0: {  	s15 =	sadd.s32 $0xE00, s7;
	s16 =	simm.s32 $0x9400  }
0xb1: {  	[tilespmem:s16], [sflag:$0x5] =	stream.linear.gather [hbm4b:s15+s3], $0x400, $0x38;
	[tilespmem:$0x10B00] =	vst v63  }
0xb2: {  	s17 =	sadd.s32 $0x1000, s7;
	s22 =	simm.s32 $0x9C00  }
0xb3: {  	[tilespmem:s22], [sflag:$0x5] =	stream.linear.gather [hbm4b:s17+s3], $0x400, $0x38;
	[tilespmem:$0x10B00] =	vst v63  }
0xb4: {  	s2 =	sadd.s32 s2, s11;
	s30 =	sadd.s32 $0x1200, s7;
	s31 =	simm.s32 $0xA400  }
0xb5: {  	[tilespmem:s31], [sflag:$0x5] =	stream.linear.gather [hbm4b:s30+s3], $0x400, $0x38;
	[tilespmem:$0x10B00] =	vst v63  }
0xb6: {  	s2 =	sshrl.u32 s2, $0x3;
	s7 =	sadd.s32 $0x1400, s7;
	s10 =	simm.s32 $0xAC00  }
0xb7: {  	[tilespmem:s10], [sflag:$0x5] =	stream.linear.gather [hbm4b:s7+s3], $0x400, $0x38;
	[tilespmem:$0x10B00] =	vst v63  }
0xb8: {  	s2 =	sadd.s32 s1, s2;
	s12 =	simm.s32 $0xB400  }
0xb9: {  	[tilespmem:s12], [sflag:$0x6] =	stream.linear.gather [hbm4b:s2+s3], $0x400, $0x38;
	[tilespmem:$0x10B00] =	vst v63  }
0xba: {  	s13 =	sadd.s32 $0x200, s2;
	s14 =	simm.s32 $0xBC00  }
0xbb: {  	[tilespmem:s14], [sflag:$0x6] =	stream.linear.gather [hbm4b:s13+s3], $0x400, $0x38;
	[tilespmem:$0x10B00] =	vst v63  }
0xbc: {  	s15 =	sadd.s32 $0x400, s2;
	s16 =	simm.s32 $0xC400  }
0xbd: {  	[tilespmem:s16], [sflag:$0x6] =	stream.linear.gather [hbm4b:s15+s3], $0x400, $0x38;
	[tilespmem:$0x10B00] =	vst v63  }
0xbe: {  	s17 =	sadd.s32 $0x600, s2;
	s22 =	simm.s32 $0xCC00  }
0xbf: {  	[tilespmem:s22], [sflag:$0x6] =	stream.linear.gather [hbm4b:s17+s3], $0x400, $0x38;
	[tilespmem:$0x10B00] =	vst v63  }
0xc0: {  	s30 =	sadd.s32 $0x800, s2;
	s31 =	simm.s32 $0xD400  }
0xc1: {  	[tilespmem:s31], [sflag:$0x6] =	stream.linear.gather [hbm4b:s30+s3], $0x400, $0x38;
	[tilespmem:$0x10B00] =	vst v63  }
0xc2: {  	s8 =	sadd.s32 $0xA00, s2;
	s10 =	simm.s32 $0xDC00  }
0xc3: {  	[tilespmem:s10], [sflag:$0x6] =	stream.linear.gather [hbm4b:s8+s3], $0x400, $0x38;
	[tilespmem:$0x10B00] =	vst v63  }
0xc4: {  	s11 =	sadd.s32 $0xC00, s2;
	s12 =	simm.s32 $0xE400  }
0xc5: {  	[tilespmem:s12], [sflag:$0x6] =	stream.linear.gather [hbm4b:s11+s3], $0x400, $0x38;
	[tilespmem:$0x10B00] =	vst v63  }
0xc6: {  	s13 =	sadd.s32 $0xE00, s2;
	s14 =	simm.s32 $0xEC00  }
0xc7: {  	[tilespmem:s14], [sflag:$0x6] =	stream.linear.gather [hbm4b:s13+s3], $0x400, $0x38;
	[tilespmem:$0x10B00] =	vst v63  }
0xc8: {  	s15 =	sadd.s32 $0x1000, s2;
	s16 =	simm.s32 $0xF400  }
0xc9: {  	[tilespmem:s16], [sflag:$0x6] =	stream.linear.gather [hbm4b:s15+s3], $0x400, $0x38;
	[tilespmem:$0x10B00] =	vst v63  }
0xca: {  	s17 =	sadd.s32 $0x1200, s2;
	s22 =	simm.s32 $0xFC00  }
0xcb: {  	[tilespmem:s22], [sflag:$0x6] =	stream.linear.gather [hbm4b:s17+s3], $0x400, $0x38;
	[tilespmem:$0x10B00] =	vst v63  }
0xcc: {  	s2 =	sadd.s32 $0x1400, s2;
	s30 =	simm.s32 $0x10400;
	s31 =	simm.s32 $0x4  }
0xcd: {  	[tilespmem:s30], [sflag:$0x6] =	stream.linear.gather [hbm4b:s2+s3], $0x400, $0x38;
	[tilespmem:$0x10B00] =	vst v63  }
0xce: {  	_ =	swait.ge [sflag:s31], $0x2C00  }
0xcf: {  	[sflag:s31] =	ssyncset.done $0x0  }
0xd0: {  	[sflag:s31] =	ssyncadd.s32 $0xFFFFD400  }
0xd1: {  	_ =	swait.ge [sflag:s18], $0x2C00  }
0xd2: {  	[sflag:s18] =	ssyncset.done $0x0  }
0xd3: {  	[sflag:s18] =	ssyncadd.s32 $0xFFFFD400  }
0xd4: {  	_ =	swait.ge [sflag:s19], $0x2C00  }
0xd5: {  	[sflag:s19] =	ssyncset.done $0x0  }
0xd6: {  	[sflag:s19] =	ssyncadd.s32 $0xFFFFD400  }
.LBB2_5:
0xd7: {  	s2 =	ssub.s32 s29, s0  }
0xd8: {  	p0 =	sne.s32 s29, s0;
	s8 =	simm.s32 $0x1;
	s14 =	sand.u32 $0xF, s29  }
0xd9: {  	_ =	swait.ge [sflag:s9], $0x2C00;
	s7 =	sshra.s32 s2, $0x1F;
	s8 =	simm.s32 @!p0 $0x0  }
0xda: {  	[sflag:s9] =	ssyncset.done $0x0;
	s10 =	sshrl.u32 s7, $0x1C;
	s7 =	sor.u32 s8, s7  }
0xdb: {  	p1 =	sne.s32 s14, $0x0;
	[sflag:s9] =	ssyncadd.s32 $0xFFFFD400;
	p6 =	sne.s32 s7, $0x1  }
0xdc: {  	s2 =	sadd.s32 s10, s2;
	_ =	swait.ge [sflag:s20], $0x2C00;
	p0 =	por !p1, !p6  }
0xdd: {  	s7 =	simm.s32 $0x1;
	[sflag:s20] =	ssyncset.done $0x0;
	p0 =	por !p0, !p0  }
0xde: {  	s2 =	sshra.s32 s2, $0x4;
	[sflag:s20] =	ssyncadd.s32 $0xFFFFD400;
	s7 =	simm.s32 @!p0 $0x0  }
0xdf: {  	s29 =	simm.s32 $0x0;
	_ =	swait.ge [sflag:s21], $0x2C00;
	s13 =	ssub.s32 s2, s7  }
0xe0: {  	[sflag:s21] =	ssyncset.done $0x0;
	s2 =	sand.u32 $0x7800, s29;
	s12 =	sshll.u32 s13, $0x4  }
0xe1: {  	s7 =	sand.u32 $0x380, s29;
	[sflag:s21] =	ssyncadd.s32 $0xFFFFD400;
	s0 =	sadd.s32 s0, s12  }
0xe2: {  	s17 =	sadd.s32 $0x40, s12;
	s22 =	sadd.s32 $0x50, s12;
	s15 =	sadd.s32 $0x10, s0  }
0xe3: {  	v7 =	vbroadcast v2, $0x1;
	s16 =	sadd.s32 $0x20, s0;
	s11 =	sand.u32 $0x70, s17;
	s14 =	sshll.u32 s22, $0x3  }
0xe4: {  	s8 =	sshll.u32 s17, $0x3;
	v2 =	vor.u32 s0, v0;
	s10 =	sand.u32 $0x70, s22;
	s14 =	sand.u32 $0xFFFFFC00, s14  }
0xe5: {  	s22 =	sadd.s32 $0x20, s12;
	v2 =	vsub.s32 v2, v7;
	v3 =	vor.u32 s15, v0;
	v4 =	vor.u32 s16, v0;
	s8 =	sand.u32 $0xFFFFFC00, s8;
	s30 =	sor.u32 s10, s14  }
0xe6: {  	s16 =	sadd.s32 $0x30, s0;
	v6 =	vcvt.s32.f32 v2;
	v3 =	vsub.s32 v3, v7;
	v8 =	vsub.s32 v4, v7;
	s31 =	sor.u32 s11, s8;
	s10 =	sadd.s32 s30, s2  }
0xe7: {  	s15 =	sadd.s32 $0x30, s12;
	v4 =	vcvt.s32.f32 v3;
	v9 =	vcvt.s32.f32 v8;
	s14 =	sadd.s32 s31, s2;
	s8 =	sor.u32 s7, s10  }
0xe8: {  	v5 =	vmul.u32 v2, v2;
	s17 =	sshll.u32 s15, $0x3;
	s15 =	sand.u32 $0x70, s15;
	v2 =	vmul.f32 $2.500000040e-02, v6;
	v6 =	vmul.u32 v3, v3;
	s10 =	sor.u32 s7, s14;
	v16 =	vld [tilespmem:s8+$0x0]  }
0xe9: {  	s14 =	sand.u32 $0xFFFFFC00, s17;
	s17 =	sand.u32 $0x70, s22;
	v3 =	vmul.f32 $2.500000040e-02, v4;
	v4 =	vmul.f32 $2.500000040e-02, v9;
	v9 =	vor.u32 s16, v0;
	s16 =	sadd.s32 $0x40, s0;
	v19 =	vld [tilespmem:s8+$0x5800]  }
0xea: {  	v8 =	vmul.u32 v8, v8;
	s22 =	sshll.u32 s22, $0x3;
	s0 =	sadd.s32 $0x50, s0;
	v20 =	vld [tilespmem:s8+$0xB000];
	s8 =	ssub.s32 s28, s26;
	v9 =	vsub.s32 v9, v7;
	v10 =	vor.u32 s16, v0  }
0xeb: {  	v17 =	vld [tilespmem:s10+$0x0];
	v11 =	vor.u32 s0, v0;
	s0 =	sor.u32 s15, s14;
	s14 =	sand.u32 $0xFFFFFC00, s22;
	s22 =	smul.u32 s8, s8;
	v12 =	vcvt.s32.f32 v9;
	v10 =	vsub.s32 v10, v7  }
0xec: {  	v24 =	vld [tilespmem:s10+$0x5800];
	v13 =	vsub.s32 v11, v7;
	s15 =	sadd.s32 s0, s2;
	v14 =	vmul.u32 v9, v9;
	v15 =	vcvt.s32.f32 v10  }
0xed: {  	v26 =	vld [tilespmem:s10+$0xB000];
	v18 =	vcvt.s32.f32 v13;
	v11 =	vmul.u32 v10, v10;
	s15 =	sor.u32 s7, s15;
	v21 =	vadd.s32 s22, v6  }
0xee: {  	s13 =	sshll.u32 s13, $0x7;
	s11 =	sadd.s32 $0x10, s12;
	s10 =	sor.u32 s17, s14;
	v22 =	vadd.s32 s22, v8;
	v32 =	vadd.s32 s22, v5;
	v7 =	vmul.f32 $2.500000040e-02, v12;
	v25 =	vld [tilespmem:s15+$0x0]  }
0xef: {  	s13 =	sand.u32 $0xFFFFFC00, s13;
	s16 =	sshll.u32 s11, $0x3;
	s17 =	sadd.s32 s10, s2;
	v12 =	vmul.u32 v13, v13;
	v27 =	vld [tilespmem:s15+$0x5800];
	v23 =	vadd.s32 s22, v14;
	vm4 =	vlt.s32 v21, $0x641  }
0xf0: {  	s11 =	sand.u32 $0x70, s11;
	s16 =	sand.u32 $0xFFFFFC00, s16;
	v29 =	vld [tilespmem:s15+$0xB000];
	s15 =	sor.u32 s7, s17;
	vm3 =	vlt.s32 v22, $0x641;
	vm5 =	vlt.s32 v32, $0x641;
	v22 =	vimm.f32 $0.0e+00  }
0xf1: {  	s26 =	ssub.s32 s26, s28;
	s11 =	sor.u32 s11, s16;
	s17 =	sand.u32 $0x70, s12;
	v21 =	vimm.f32 $0.0e+00;
	v9 =	vmul.f32 $2.500000040e-02, v15;
	v10 =	vmul.f32 $2.500000040e-02, v18;
	v28 =	vld [tilespmem:s15+$0x0]  }
0xf2: {  	s16 =	sadd.s32 s11, s2;
	v13 =	vadd.s32 s22, v11;
	v18 =	vimm.f32 $0.0e+00;
	s13 =	sor.u32 s17, s13;
	v31 =	vld [tilespmem:s15+$0x5800];
	v15 =	vadd.s32 s22, v12;
	s22 =	scvt.s32.f32 s26  }
0xf3: {  	s12 =	sor.u32 s7, s16;
	vm2 =	vlt.s32 v23, $0x641;
	v32 =	vld [tilespmem:s15+$0xB000];
	vm1 =	vlt.s32 v13, $0x641;
	[dreg:$0x3] =	wrdreg s13;
	vm0 =	vlt.s32 v15, $0x641  }
0xf4: {  	s28 =	simm.s32 $0x100;
	v23 =	vimm.f32 $0.0e+00;
	v30 =	vld [tilespmem:s12+$0x0];
	v15 =	vsel vm1, $0x3F800000, v1;
	s13 =	rddreg [dreg:$0x3];
	v13 =	vsel vm0, $0x3F800000, v1;
	s14 =	smul.f32 $2.500000040e-02, s22  }
.LBB2_6:
0xf5: {  	v33 =	vsel vm4, $0x3F800000, v1  }
0xf6: {  	v34 =	vld [tilespmem:s12+$0x5800];
	v35 =	vsel vm3, $0x3F800000, v1;
	v36 =	vsel vm2, $0x3F800000, v1;
	v37 =	vsel vm5, $0x3F800000, v1  }
0xf7: {  	s2 =	sadd.s32 s13, s2;
	v39 =	vld [tilespmem:s12+$0xB000];
	v38 =	vmov s14;
	v23 =	vadd.f32 v37, v23;
	v40 =	vnsel vm0, $0x0, v16  }
0xf8: {  	s2 =	sor.u32 s7, s2;
	v16 =	vsub.f32 v19, v38;
	v41 =	vnsel vm1, $0x0, v17;
	v17 =	vadd.f32 v10, v20  }
0xf9: {  	v42 =	vld [tilespmem:s2+$0x0];
	v20 =	vnsel vm2, $0x0, v25;
	v24 =	vsub.f32 v24, v38;
	v25 =	vadd.f32 v9, v26  }
0xfa: {  	v19 =	vld [tilespmem:s2+$0x5800];
	v28 =	vnsel vm3, $0x0, v28;
	v27 =	vsub.f32 v27, v38;
	v29 =	vadd.f32 v7, v29  }
0xfb: {  	s29 =	sadd.s32 $0x80, s29;
	v26 =	vld [tilespmem:s2+$0xB000];
	v30 =	vnsel vm4, $0x0, v30;
	v31 =	vsub.f32 v31, v38;
	v32 =	vadd.f32 v4, v32;
	s2 =	sand.u32 $0x7800, s28  }
0xfc: {  	s8 =	sadd.s32 $0x1, s8;
	s7 =	sand.u32 $0x380, s29;
	v34 =	vsub.f32 v34, v38;
	v39 =	vadd.f32 v3, v39;
	v43 =	vand.u32 $0x7FFFFFFF, v16;
	s13 =	sadd.s32 s30, s2  }
0xfd: {  	s14 =	sadd.s32 s31, s2;
	s15 =	sadd.s32 s0, s2;
	v24 =	vand.u32 $0x7FFFFFFF, v24;
	v44 =	vand.u32 $0x7FFFFFFF, v25;
	v45 =	vand.u32 $0x7FFFFFFF, v17;
	s12 =	sor.u32 s7, s13  }
0xfe: {  	v25 =	vand.u32 $0x7FFFFFFF, v29;
	s13 =	sor.u32 s7, s14;
	s14 =	sor.u32 s7, s15;
	s15 =	smul.u32 s8, s8;
	v29 =	vand.u32 $0x7FFFFFFF, v34;
	v60 =	vnsel vm5, $0x0, v42  }
0xff: {  	v25 =	vnsel vm2, $0x0, v25;
	v16 =	vsub.f32 v19, v38;
	v19 =	vand.u32 $0x7FFFFFFF, v27  }
0x100: {  	v27 =	vand.u32 $0x7FFFFFFF, v32;
	v18 =	vadd.f32 v60, v18;
	v61 =	vadd.s32 s15, v8  }
0x101: {  	v62 =	vadd.s32 s15, v14;
	v63 =	vadd.s32 s15, v5;
	v17 =	vadd.f32 v2, v26  }
0x102: {  	v26 =	vand.u32 $0x7FFFFFFF, v31;
	v31 =	vand.u32 $0x7FFFFFFF, v39;
	v16 =	vand.u32 $0x7FFFFFFF, v16  }
0x103: {  	s16 =	sadd.s32 s10, s2;
	v27 =	vnsel vm3, $0x0, v27;
	v16 =	vnsel vm5, $0x0, v16;
	v17 =	vand.u32 $0x7FFFFFFF, v17  }
0x104: {  	s16 =	sor.u32 s7, s16;
	v18 =	vadd.f32 v30, v18;
	v17 =	vnsel vm5, $0x0, v17;
	v16 =	vadd.f32 v16, v22  }
0x105: {  	v32 =	vld [tilespmem:s16+$0xB000];
	v26 =	vnsel vm3, $0x0, v26;
	v22 =	vadd.f32 v23, v33;
	v17 =	vadd.f32 v17, v21  }
0x106: {  	v23 =	vnsel vm4, $0x0, v31;
	v18 =	vadd.f32 v28, v18;
	v28 =	vld [tilespmem:s16+$0x0];
	v21 =	vnsel vm4, $0x0, v29  }
0x107: {  	v31 =	vadd.s32 s15, v6;
	v29 =	vld [tilespmem:s14+$0xB000];
	v21 =	vadd.f32 v21, v16;
	v23 =	vadd.f32 v23, v17  }
0x108: {  	vm4 =	vlt.s32 v31, $0x641;
	v31 =	vld [tilespmem:s16+$0x5800];
	v22 =	vadd.f32 v22, v35;
	v18 =	vadd.f32 v20, v18  }
0x109: {  	vm3 =	vlt.s32 v61, $0x641;
	v16 =	vld [tilespmem:s12+$0x0];
	v21 =	vadd.f32 v26, v21;
	v23 =	vadd.f32 v27, v23  }
0x10a: {  	v20 =	vld [tilespmem:s12+$0xB000];
	v26 =	vnsel vm2, $0x0, v19;
	v22 =	vadd.f32 v22, v36;
	v18 =	vadd.f32 v41, v18  }
0x10b: {  	s17 =	sadd.s32 s11, s2;
	vm5 =	vlt.s32 v63, $0x641;
	v17 =	vld [tilespmem:s13+$0x0];
	v21 =	vadd.f32 v26, v21;
	v23 =	vadd.f32 v25, v23  }
0x10c: {  	p0 =	sne.s32 s28, $0x5700;
	v19 =	vld [tilespmem:s12+$0x5800];
	s12 =	sor.u32 s7, s17;
	v26 =	vnsel vm1, $0x0, v24;
	v15 =	vadd.f32 v22, v15;
	v22 =	vnsel vm1, $0x0, v44  }
.Ltmp6:
0x10d: {  	v30 =	vld [tilespmem:s12+$0x0];
	v21 =	vadd.f32 v26, v21;
	v27 =	vadd.f32 v22, v23;
	v22 =	vnsel vm0, $0x0, v43;
	(pc) =	sbr.rel @p0 .LBB2_6-.Ltmp6, $4  }
0x10e: {  	s26 =	sadd.s32 $0xFFFFFFFF, s26;
	v24 =	vld [tilespmem:s13+$0x5800];
	v23 =	vadd.f32 v15, v13;
	v13 =	vnsel vm0, $0x0, v45;
	v15 =	vadd.s32 s15, v12  }
0x10f: {  	s22 =	scvt.s32.f32 s26;
	v25 =	vld [tilespmem:s14+$0x0];
	v22 =	vadd.f32 v22, v21;
	v21 =	vadd.f32 v13, v27;
	v13 =	vadd.s32 s15, v11  }
0x110: {  	vm2 =	vlt.s32 v62, $0x641;
	v26 =	vld [tilespmem:s13+$0xB000];
	vm0 =	vlt.s32 v15, $0x641;
	vm1 =	vlt.s32 v13, $0x641  }
0x111: {  	s28 =	sadd.s32 $0x100, s28;
	v18 =	vadd.f32 v40, v18;
	s13 =	rddreg [dreg:$0x3];
	v27 =	vld [tilespmem:s14+$0x5800];
	s14 =	smul.f32 $2.500000040e-02, s22;
	v13 =	vsel vm0, $0x3F800000, v1;
	v15 =	vsel vm1, $0x3F800000, v1  }
0x112: {  	v5 =	vsel vm4, $0x3F800000, v1;
	v8 =	vsel vm3, $0x3F800000, v1  }
0x113: {  	v11 =	vsel vm2, $0x3F800000, v1;
	s0 =	sadd.s32 s13, s2;
	v12 =	vsel vm5, $0x3F800000, v1;
	v16 =	vnsel vm0, $0x0, v16  }
0x114: {  	v6 =	vld [tilespmem:s12+$0x5800];
	v10 =	vadd.f32 v10, v20;
	v17 =	vnsel vm1, $0x0, v17;
	v7 =	vadd.f32 v7, v29;
	s0 =	sor.u32 s7, s0  }
0x115: {  	v28 =	vnsel vm3, $0x0, v28;
	v4 =	vadd.f32 v4, v32;
	v14 =	vmov s14;
	v47 =	vld [tilespmem:s0+$0x5800]  }
0x116: {  	v30 =	vnsel vm4, $0x0, v30;
	v12 =	vadd.f32 v12, v23;
	v19 =	vsub.f32 v19, v14;
	v48 =	vld [tilespmem:s0+$0xB000]  }
0x117: {  	v24 =	vsub.f32 v24, v14;
	v25 =	vnsel vm2, $0x0, v25;
	v49 =	vsub.f32 v31, v14;
	v50 =	vld [tilespmem:s0+$0x0]  }
0x118: {  	v33 =	vld [tilespmem:s12+$0xB000];
	v10 =	vand.u32 $0x7FFFFFFF, v10;
	v7 =	vand.u32 $0x7FFFFFFF, v7;
	v4 =	vand.u32 $0x7FFFFFFF, v4  }
0x119: {  	v9 =	vadd.f32 v9, v26;
	v5 =	vadd.f32 v12, v5;
	v4 =	vnsel vm3, $0x0, v4  }
0x11a: {  	v7 =	vnsel vm2, $0x0, v7;
	v27 =	vsub.f32 v27, v14;
	v19 =	vand.u32 $0x7FFFFFFF, v19  }
0x11b: {  	v24 =	vand.u32 $0x7FFFFFFF, v24;
	v6 =	vsub.f32 v6, v14;
	v14 =	vsub.f32 v47, v14  }
0x11c: {  	v52 =	vand.u32 $0x7FFFFFFF, v49;
	v2 =	vadd.f32 v2, v48;
	v53 =	vnsel vm5, $0x0, v50  }
0x11d: {  	v3 =	vadd.f32 v3, v33;
	v18 =	vadd.f32 v53, v18;
	v14 =	vand.u32 $0x7FFFFFFF, v14  }
0x11e: {  	v6 =	vand.u32 $0x7FFFFFFF, v6;
	v2 =	vand.u32 $0x7FFFFFFF, v2;
	v14 =	vnsel vm5, $0x0, v14  }
0x11f: {  	v2 =	vnsel vm5, $0x0, v2;
	v18 =	vadd.f32 v30, v18;
	v14 =	vadd.f32 v14, v22  }
0x120: {  	v3 =	vand.u32 $0x7FFFFFFF, v3;
	v6 =	vnsel vm4, $0x0, v6;
	v2 =	vadd.f32 v2, v21  }
0x121: {  	v3 =	vnsel vm4, $0x0, v3;
	v54 =	vadd.f32 v28, v18;
	v6 =	vadd.f32 v6, v14  }
0x122: {  	v5 =	vadd.f32 v5, v8;
	v2 =	vadd.f32 v3, v2;
	v3 =	vnsel vm3, $0x0, v52  }
0x123: {  	v51 =	vand.u32 $0x7FFFFFFF, v27;
	v55 =	vadd.f32 v25, v54;
	v3 =	vadd.f32 v3, v6  }
0x124: {  	v56 =	vnsel vm2, $0x0, v51;
	v5 =	vadd.f32 v5, v11;
	v2 =	vadd.f32 v4, v2  }
0x125: {  	v9 =	vand.u32 $0x7FFFFFFF, v9;
	v57 =	vadd.f32 v17, v55;
	v3 =	vadd.f32 v56, v3  }
0x126: {  	v58 =	vnsel vm1, $0x0, v24;
	v5 =	vadd.f32 v5, v15;
	v2 =	vadd.f32 v7, v2  }
0x127: {  	v59 =	vnsel vm1, $0x0, v9;
	v4 =	vadd.f32 v16, v57;
	v3 =	vadd.f32 v58, v3  }
0x128: {  	v60 =	vnsel vm0, $0x0, v19;
	v5 =	vadd.f32 v5, v13;
	v2 =	vadd.f32 v59, v2  }
0x129: {  	v61 =	vnsel vm0, $0x0, v10;
	(xrf2) =	vadd.scan.msk.f32 $0xffff, v4;
	v3 =	vadd.f32 v60, v3  }
0x12a: {  	v2 =	vadd.f32 v61, v2;
	(xrf2) =	vadd.scan.msk.f32 $0xffff, v5  }
0x12b: {  	(xrf2) =	vadd.scan.msk.f32 $0xffff, v3  }
0x12c: {  	(xrf2) =	vadd.scan.msk.f32 $0xffff, v2;
	_ =	sdelay $0x6  }
0x12d: {  	v2, _, _ =	vpop (xrf2)  }
0x12e: {  	v3, _, _ =	vpop (xrf2);
	v2 =	vbroadcast v2, $0xF  }
0x12f: {  	v3 =	vbroadcast v3, $0xF;
	v62, _, _ =	vpop (xrf2)  }
0x130: {  	[tilespmem:$0x10800] =	vst v2;
	v2 =	vbroadcast v62, $0xF;
	v63, _, _ =	vpop (xrf2)  }
0x131: {  	[tilespmem:$0x10880] =	vst v3;
	v3 =	vbroadcast v63, $0xF  }
0x132: {  	s30 =	sshll.u32 s25, $0x6;
	[tilespmem:$0x10900] =	vst v2  }
.Ltmp7:
0x133: {  	s31 =	simm.s32 $0x10800;
	s0 =	sadd.s32 s5, s30;
	[tilespmem:$0x10980] =	vst v3;
	(pc) =	sbr.rel .LBB2_8-.Ltmp7, $4  }
0x134: {  	[hbm4b:s0+s3] =	stream.linear.scatter [tilespmem:s31], [sflag:$0x7], $0x200, $0x38;
	[tilespmem:$0x10B00] =	vst v63  }
0x135: {  	_ =	swait.ge [sflag:s23], $0x200  }
0x136: {  	[sflag:s23] =	ssyncset.done $0x0  }
0x137: {  	[sflag:s23] =	ssyncadd.s32 $0xFFFFFE00  }
.LBB2_10:
0x138: {  	_ =	sfence.sel $0x180000  }
0x139: {  	[bflag:$0x0] =	sbarrier.arrive $0xFFFF  }
0x13a: {  	_ =	strace $0x90000047  }
0x13b: {  	[bflag:$0x2] =	sbarrier.arrive $0xFFFF  }
0x13c: {  	p0 =	sne.s32 s4, $0x0;
	s0 =	rddreg [dreg:$0x2]  }
0x13d: {  	s0 =	sadd.s32 @!p0 $0x100000, s0  }
0x13e: {  	[sflag:s0] =	ssyncadd.tile.s32 @!p0 $0x1;
	_ =	shalt  }
.Lfunc_end2:
_tile_overlayer_lowered:
.L_overlay_start_2:
0x13f: {  	(tag) =	ssettag $0x2  }
0x140: {  	s0 =	rddreg [dreg:$0x0];
	s2 =	stileid.u32  }
0x141: {  	s1 =	rddreg [dreg:$0x1];
	p0 =	sne.s32 s2, $0x0  }
0x142: {  	s3 =	rddreg [dreg:$0x2];
	[bflag:$0x3] =	sbarrier.arrive $0xFFFF;
	s2 =	simm.s32 @!p0 $0x1C08  }
0x143: {  	[timem:s3], [sflag:s2] =	dma.local @!p0 [hbm:s0], s1  }
0x144: {  	s0 =	simm.s32 @!p0 $0x8  }
0x145: {  	_ =	swait.ge @!p0 [sflag:s0], s1  }
0x146: {  	s1 =	ssub.s32 @!p0 $0x0, s1;
	[sflag:s0] =	ssyncset.done @!p0 $0x0  }
0x147: {  	[sflag:s0] =	ssyncadd.s32 @!p0 s1  }
0x148: {  	[bflag:$0x3] =	sbarrier.arrive $0xFFFF  }
0x149: {  	_ =	shalt  }

</sc_bundles>
